<compile_context>
chip_gen: v7x
topology: tpu7x:2x2x1
jax: 0.10.2.dev20260603
libtpu: 0.0.44.dev20260713+nightly
codegen_flags: <defaults>
</compile_context>

<pallas_src>
import functools

import jax
import jax.numpy as jnp
from jax import lax
from jax.experimental import pallas as pl
from jax.experimental.pallas import tpu as pltpu
from jax.experimental.pallas import tpu_sc as plsc

VOCAB_SIZE = 100000
EMBED_DIM = 128
BATCH = 1024
SEQ_LEN = 200

NUM_CORES = 2
NUM_SUBCORES = 16
NUM_WORKERS = NUM_CORES * NUM_SUBCORES
SEQS_PER_WORKER = BATCH // NUM_WORKERS
ROWS_PER_WORKER = SEQS_PER_WORKER * SEQ_LEN
NBUF = 4
NCHUNK = SEQS_PER_WORKER


def _sc_embed(idx_flat, vocab_table, pos_table):
  mesh = plsc.VectorSubcoreMesh(
      core_axis_name="c", subcore_axis_name="s")

  @functools.partial(
      pl.kernel,
      out_type=jax.ShapeDtypeStruct((BATCH * SEQ_LEN, EMBED_DIM),
                                    jnp.float32),
      mesh=mesh,
      scratch_types=(
          [
              pltpu.VMEM((ROWS_PER_WORKER,), jnp.int32),
              pltpu.VMEM_SHARED((SEQ_LEN, EMBED_DIM), jnp.float32),
          ]
          + [pltpu.VMEM((SEQ_LEN, EMBED_DIM), jnp.float32)] * NBUF
          + [pltpu.SemaphoreType.DMA] * (3 * NBUF + 1)
      ),
  )
  def k(idx_hbm, vocab_hbm, pos_hbm, out_hbm, idx_v, pos_sp, *rest):
    bufs = rest[:NBUF]
    fsem = rest[NBUF:2 * NBUF]
    gsem = rest[2 * NBUF:3 * NBUF]
    ssem = rest[3 * NBUF:4 * NBUF]
    psem = rest[4 * NBUF]
    cid = lax.axis_index("c")
    sid = lax.axis_index("s")
    wid = sid * NUM_CORES + cid
    base = wid * ROWS_PER_WORKER

    @pl.when(sid == 0)
    def _():
      pltpu.async_copy(pos_hbm, pos_sp, psem).wait()

    pltpu.sync_copy(idx_hbm.at[pl.ds(base, ROWS_PER_WORKER)], idx_v)
    plsc.subcore_barrier()

    def fill(j, b):
      pltpu.async_copy(pos_sp, bufs[b], fsem[b])

    def wait_fill(j, b):
      pltpu.make_async_copy(pos_sp, bufs[b], fsem[b]).wait()

    def gather(j, b):
      pltpu.async_copy(
          vocab_hbm.at[idx_v.at[pl.ds(j * SEQ_LEN, SEQ_LEN)]],
          bufs[b], gsem[b], add=True)

    def wait_gather(j, b):
      pltpu.make_async_copy(
          vocab_hbm.at[idx_v.at[pl.ds(j * SEQ_LEN, SEQ_LEN)]],
          bufs[b], gsem[b]).wait()

    def scatter(j, b):
      pltpu.async_copy(
          bufs[b], out_hbm.at[pl.ds(base + j * SEQ_LEN, SEQ_LEN)], ssem[b])

    def wait_scatter(j, b):
      pltpu.make_async_copy(
          bufs[b], out_hbm.at[pl.ds(base + j * SEQ_LEN, SEQ_LEN)],
          ssem[b]).wait()

    fill(0, 0)
    fill(1, 1)
    wait_fill(0, 0)
    gather(0, 0)

    def step(j, b):
      f = j + 2
      fb = (b + 2) % NBUF
      gb = (b + 1) % NBUF
      wait_fill(j + 1, gb)
      gather(j + 1, gb)
      if isinstance(j, int):
        if j >= 2:
          wait_scatter(j - 2, fb)
        if f < NCHUNK:
          fill(f, fb)
      else:
        @pl.when(j >= 2)
        def _():
          wait_scatter(j - 2, fb)

        fill(f, fb)
      wait_gather(j, b)
      scatter(j, b)

    def outer(o, _):
      for b in range(NBUF):
        step(o * NBUF + b, b)
      return 0

    NLOOP = (NCHUNK - 6) // NBUF
    lax.fori_loop(0, NLOOP, outer, 0)

    for j in range(NLOOP * NBUF, NCHUNK - 1):
      step(j, j % NBUF)

    j = NCHUNK - 1
    wait_gather(j, j % NBUF)
    scatter(j, j % NBUF)

    for j in range(NCHUNK - 3, NCHUNK):
      wait_scatter(j, j % NBUF)

  return k(idx_flat, vocab_table, pos_table)


def kernel(input, vocab_table, pos_table):
  idx_flat = input.reshape(-1).astype(jnp.int32)
  out = _sc_embed(idx_flat, vocab_table, pos_table)
  return out.reshape(BATCH, SEQ_LEN, EMBED_DIM)

# --- scband reference (transcript-rebuilt; emitter-appended) ---
"""Pipeline reference for scband-initial-embedding-new-24833500906004 (READ-ONLY COPY).

The authoritative reference and input builder live on the scoring server;
editing this copy changes nothing except your own understanding.
"""

import jax, jax.numpy as jnp
import numpy as np

VOCAB_SIZE = 100000
SEQ_POSITIONS = 200
EMBED_DIM = 128
UNKNOWN_TOKEN = 0
BATCH = 1024
SEQ_LEN = 200

def setup_inputs(seed: int = 0) -> dict:
    key = jax.random.key(seed)
    k1, k2, k3 = jax.random.split(key, 3)
    inp = jax.random.randint(k1, (BATCH, SEQ_LEN), 0, VOCAB_SIZE, dtype=jnp.int64 if jax.config.jax_enable_x64 else jnp.int32)
    vocab_table = jax.random.normal(k2, (VOCAB_SIZE, EMBED_DIM), dtype=jnp.float32) * 0.1
    pos_table = jax.random.normal(k3, (SEQ_POSITIONS, EMBED_DIM), dtype=jnp.float32) * 0.1
    return {"input": inp, "vocab_table": vocab_table, "pos_table": pos_table}

def reference(input, vocab_table, pos_table):
    batch_size, seq_len = input.shape
    unknown_mask = (input >= VOCAB_SIZE) | (input < 0)
    safe_input = jnp.where(unknown_mask, UNKNOWN_TOKEN, input)
    word_embeddings = jnp.take(vocab_table, safe_input, axis=0)
    positions = jnp.arange(seq_len)
    positional_embeddings = jnp.take(pos_table, positions, axis=0)[None, :, :]
    output_tensor = word_embeddings + positional_embeddings
    # dropout is identity in eval mode
    return output_tensor

if __name__ == "__main__":
    import jax
    _d = setup_inputs()
    print(jax.jit(kernel)(*tuple(_d.values())))

</pallas_src>

<mosaic_0001>
#map = affine_map<(d0, d1) -> (0)>
#map1 = affine_map<(d0, d1) -> (0, 0)>
module attributes {stable_mosaic.version = 14 : i64} {
  func.func @k(%arg0: i32, %arg1: i32, %arg2: memref<204800xi32, #tpu.memory_space<hbm>>, %arg3: memref<100000x128xf32, #tpu.memory_space<hbm>>, %arg4: memref<200x128xf32, #tpu.memory_space<hbm>>, %arg5: memref<204800x128xf32, #tpu.memory_space<hbm>>, %arg6: memref<6400xi32, #tpu.memory_space<vmem>>, %arg7: memref<200x128xf32, #tpu.memory_space<vmem_shared>>, %arg8: memref<200x128xf32, #tpu.memory_space<vmem>>, %arg9: memref<200x128xf32, #tpu.memory_space<vmem>>, %arg10: memref<200x128xf32, #tpu.memory_space<vmem>>, %arg11: memref<200x128xf32, #tpu.memory_space<vmem>>, %arg12: memref<!tpu.dma_semaphore, #tpu.memory_space<semaphore_mem>>, %arg13: memref<!tpu.dma_semaphore, #tpu.memory_space<semaphore_mem>>, %arg14: memref<!tpu.dma_semaphore, #tpu.memory_space<semaphore_mem>>, %arg15: memref<!tpu.dma_semaphore, #tpu.memory_space<semaphore_mem>>, %arg16: memref<!tpu.dma_semaphore, #tpu.memory_space<semaphore_mem>>, %arg17: memref<!tpu.dma_semaphore, #tpu.memory_space<semaphore_mem>>, %arg18: memref<!tpu.dma_semaphore, #tpu.memory_space<semaphore_mem>>, %arg19: memref<!tpu.dma_semaphore, #tpu.memory_space<semaphore_mem>>, %arg20: memref<!tpu.dma_semaphore, #tpu.memory_space<semaphore_mem>>, %arg21: memref<!tpu.dma_semaphore, #tpu.memory_space<semaphore_mem>>, %arg22: memref<!tpu.dma_semaphore, #tpu.memory_space<semaphore_mem>>, %arg23: memref<!tpu.dma_semaphore, #tpu.memory_space<semaphore_mem>>, %arg24: memref<!tpu.dma_semaphore, #tpu.memory_space<semaphore_mem>>) attributes {dimension_semantics = [#tpu.dimension_semantics<core_parallel>, #tpu.dimension_semantics<subcore_parallel>], iteration_bounds = array<i64: 2, 16>, scalar_prefetch = 0 : i64, scratch_operands = 19 : i64, tpu.core_type = #tpu.core_type<sc_vector_subcore>, window_params = [{transform_indices = #map}, {transform_indices = #map1}, {transform_indices = #map1}, {transform_indices = #map1}]} {
    %mul3A = arith.constant 2 : i32
    %mul3A_0 = arith.muli %arg1, %mul3A : i32
    %add3A = arith.addi %mul3A_0, %arg0 : i32
    %mul3A_1 = arith.constant 6400 : i32
    %mul3A_2 = arith.muli %add3A, %mul3A_1 : i32
    %eq3A = arith.constant 0 : i32
    %eq3A_3 = arith.cmpi eq, %arg1, %eq3A : i32
    %convert_element_type3A = arith.extui %eq3A_3 : i1 to i32
    %cond3A = arith.constant 0 : i32
    %cond3A_4 = arith.cmpi ne, %convert_element_type3A, %cond3A : i32
    scf.if %cond3A_4 {
      tpu.enqueue_dma source(%arg4 : memref<200x128xf32, #tpu.memory_space<hbm>>) target(%arg7 : memref<200x128xf32, #tpu.memory_space<vmem_shared>>) target_semaphore(%arg24 : memref<!tpu.dma_semaphore, #tpu.memory_space<semaphore_mem>>)
      tpu.wait_dma2 semaphore(%arg24 : memref<!tpu.dma_semaphore, #tpu.memory_space<semaphore_mem>>) src(%arg4 : memref<200x128xf32, #tpu.memory_space<hbm>>) dst(%arg7 : memref<200x128xf32, #tpu.memory_space<vmem_shared>>)
    } else {
    }
    "tpu.region"() ({
      %run_scoped3A = tpu.sem_alloc : memref<!tpu.dma_semaphore, #tpu.memory_space<semaphore_mem>>
      %dma_start3A_197 = tpu.memref_slice %arg2[%mul3A_2] : memref<204800xi32, #tpu.memory_space<hbm>> -> memref<6400xi32, #tpu.memory_space<hbm>>
      %dma_start3A_198 = tpu.memref_slice %arg2[%mul3A_2] : memref<204800xi32, #tpu.memory_space<hbm>> -> memref<6400xi32, #tpu.memory_space<hbm>>
      tpu.enqueue_dma source(%dma_start3A_198 : memref<6400xi32, #tpu.memory_space<hbm>>) target(%arg6 : memref<6400xi32, #tpu.memory_space<vmem>>) target_semaphore(%run_scoped3A : memref<!tpu.dma_semaphore, #tpu.memory_space<semaphore_mem>>)
      %dma_wait3A_199 = tpu.memref_slice %arg2[%mul3A_2] : memref<204800xi32, #tpu.memory_space<hbm>> -> memref<6400xi32, #tpu.memory_space<hbm>>
      %dma_wait3A_200 = tpu.memref_slice %arg2[%mul3A_2] : memref<204800xi32, #tpu.memory_space<hbm>> -> memref<6400xi32, #tpu.memory_space<hbm>>
      tpu.wait_dma2 semaphore(%run_scoped3A : memref<!tpu.dma_semaphore, #tpu.memory_space<semaphore_mem>>) src(%dma_wait3A_200 : memref<6400xi32, #tpu.memory_space<hbm>>) dst(%arg6 : memref<6400xi32, #tpu.memory_space<vmem>>)
      tpu.yield
    }) : () -> ()
    %barrier3A = arith.constant 0 : index
    tpu.barrier barrier_id(%barrier3A)
    tpu.enqueue_dma source(%arg7 : memref<200x128xf32, #tpu.memory_space<vmem_shared>>) target(%arg8 : memref<200x128xf32, #tpu.memory_space<vmem>>) target_semaphore(%arg12 : memref<!tpu.dma_semaphore, #tpu.memory_space<semaphore_mem>>)
    tpu.enqueue_dma source(%arg7 : memref<200x128xf32, #tpu.memory_space<vmem_shared>>) target(%arg9 : memref<200x128xf32, #tpu.memory_space<vmem>>) target_semaphore(%arg13 : memref<!tpu.dma_semaphore, #tpu.memory_space<semaphore_mem>>)
    tpu.wait_dma2 semaphore(%arg12 : memref<!tpu.dma_semaphore, #tpu.memory_space<semaphore_mem>>) src(%arg7 : memref<200x128xf32, #tpu.memory_space<vmem_shared>>) dst(%arg8 : memref<200x128xf32, #tpu.memory_space<vmem>>)
    %dma_start3A = arith.constant 0 : i32
    %dma_start3A_5 = tpu.memref_slice %arg6[%dma_start3A] : memref<6400xi32, #tpu.memory_space<vmem>> -> memref<200xi32, #tpu.memory_space<vmem>>
    %dma_start3A_6 = arith.constant 0 : i32
    %dma_start3A_7 = arith.constant 0 : i32
    %dma_start3A_8 = tpu.memref_slice %arg3[%dma_start3A_6, %dma_start3A_7] : memref<100000x128xf32, #tpu.memory_space<hbm>> -> memref<100000x128xf32, #tpu.memory_space<hbm>>
    tpu.enqueue_indirect_dma source(%dma_start3A_8 : memref<100000x128xf32, #tpu.memory_space<hbm>>) target(%arg8 : memref<200x128xf32, #tpu.memory_space<vmem>>) offsets(%dma_start3A_5 : memref<200xi32, #tpu.memory_space<vmem>>) semaphore(%arg16 : memref<!tpu.dma_semaphore, #tpu.memory_space<semaphore_mem>>) {add = true}
    %scan3A = arith.constant 0 : i32
    %scan3A_9 = arith.constant 0 : i32
    %scan3A_10 = arith.constant 6 : i32
    %scan3A_11 = arith.addi %scan3A_9, %scan3A_10 : i32
    %scan3A_12 = arith.constant 1 : i32
    %scan3A_13 = scf.for %scan3A_197 = %scan3A_9 to %scan3A_11 step %scan3A_12 iter_args(%scan3A_198 = %scan3A) -> (i32)  : i32 {
      %mul3A_199 = arith.constant 4 : i32
      %mul3A_200 = arith.muli %scan3A_197, %mul3A_199 : i32
      %add3A_201 = arith.constant 0 : i32
      %add3A_202 = arith.addi %mul3A_200, %add3A_201 : i32
      %add3A_203 = arith.constant 2 : i32
      %add3A_204 = arith.addi %add3A_202, %add3A_203 : i32
      %add3A_205 = arith.constant 1 : i32
      %add3A_206 = arith.addi %add3A_202, %add3A_205 : i32
      tpu.wait_dma2 semaphore(%arg13 : memref<!tpu.dma_semaphore, #tpu.memory_space<semaphore_mem>>) src(%arg7 : memref<200x128xf32, #tpu.memory_space<vmem_shared>>) dst(%arg9 : memref<200x128xf32, #tpu.memory_space<vmem>>)
      %add3A_207 = arith.constant 1 : i32
      %add3A_208 = arith.addi %add3A_202, %add3A_207 : i32
      %mul3A_209 = arith.constant 200 : i32
      %mul3A_210 = arith.muli %add3A_208, %mul3A_209 : i32
      %dma_start3A_211 = tpu.memref_slice %arg6[%mul3A_210] : memref<6400xi32, #tpu.memory_space<vmem>> -> memref<200xi32, #tpu.memory_space<vmem>>
      %dma_start3A_212 = arith.constant 0 : i32
      %dma_start3A_213 = arith.constant 0 : i32
      %dma_start3A_214 = tpu.memref_slice %arg3[%dma_start3A_212, %dma_start3A_213] : memref<100000x128xf32, #tpu.memory_space<hbm>> -> memref<100000x128xf32, #tpu.memory_space<hbm>>
      tpu.enqueue_indirect_dma source(%dma_start3A_214 : memref<100000x128xf32, #tpu.memory_space<hbm>>) target(%arg9 : memref<200x128xf32, #tpu.memory_space<vmem>>) offsets(%dma_start3A_211 : memref<200xi32, #tpu.memory_space<vmem>>) semaphore(%arg17 : memref<!tpu.dma_semaphore, #tpu.memory_space<semaphore_mem>>) {add = true}
      %ge3A = arith.constant 2 : i32
      %ge3A_215 = arith.cmpi sge, %add3A_202, %ge3A : i32
      %convert_element_type3A_216 = arith.extui %ge3A_215 : i1 to i32
      %cond3A_217 = arith.constant 0 : i32
      %cond3A_218 = arith.cmpi ne, %convert_element_type3A_216, %cond3A_217 : i32
      scf.if %cond3A_218 {
        %sub3A = arith.constant 2 : i32
        %sub3A_335 = arith.subi %add3A_202, %sub3A : i32
        %mul3A_336 = arith.constant 200 : i32
        %mul3A_337 = arith.muli %sub3A_335, %mul3A_336 : i32
        %add3A_338 = arith.addi %mul3A_2, %mul3A_337 : i32
        %dma_wait3A_339 = arith.constant 0 : i32
        %dma_wait3A_340 = tpu.memref_slice %arg5[%add3A_338, %dma_wait3A_339] : memref<204800x128xf32, #tpu.memory_space<hbm>> -> memref<200x128xf32, #tpu.memory_space<hbm>>
        %dma_wait3A_341 = arith.constant 0 : i32
        %dma_wait3A_342 = tpu.memref_slice %arg5[%add3A_338, %dma_wait3A_341] : memref<204800x128xf32, #tpu.memory_space<hbm>> -> memref<200x128xf32, #tpu.memory_space<hbm>>
        tpu.wait_dma2 semaphore(%arg22 : memref<!tpu.dma_semaphore, #tpu.memory_space<semaphore_mem>>) src(%arg10 : memref<200x128xf32, #tpu.memory_space<vmem>>) dst(%dma_wait3A_342 : memref<200x128xf32, #tpu.memory_space<hbm>>)
      } else {
      }
      tpu.enqueue_dma source(%arg7 : memref<200x128xf32, #tpu.memory_space<vmem_shared>>) target(%arg10 : memref<200x128xf32, #tpu.memory_space<vmem>>) target_semaphore(%arg14 : memref<!tpu.dma_semaphore, #tpu.memory_space<semaphore_mem>>)
      %mul3A_219 = arith.constant 200 : i32
      %mul3A_220 = arith.muli %add3A_202, %mul3A_219 : i32
      %dma_wait3A_221 = tpu.memref_slice %arg6[%mul3A_220] : memref<6400xi32, #tpu.memory_space<vmem>> -> memref<200xi32, #tpu.memory_space<vmem>>
      %dma_wait3A_222 = arith.constant 0 : i32
      %dma_wait3A_223 = arith.constant 0 : i32
      %dma_wait3A_224 = tpu.memref_slice %arg3[%dma_wait3A_222, %dma_wait3A_223] : memref<100000x128xf32, #tpu.memory_space<hbm>> -> memref<100000x128xf32, #tpu.memory_space<hbm>>
      tpu.wait_indirect_dma semaphore(%arg16 : memref<!tpu.dma_semaphore, #tpu.memory_space<semaphore_mem>>) src(%dma_wait3A_224 : memref<100000x128xf32, #tpu.memory_space<hbm>>) dst(%arg8 : memref<200x128xf32, #tpu.memory_space<vmem>>)
      %mul3A_225 = arith.constant 200 : i32
      %mul3A_226 = arith.muli %add3A_202, %mul3A_225 : i32
      %add3A_227 = arith.addi %mul3A_2, %mul3A_226 : i32
      %dma_start3A_228 = arith.constant 0 : i32
      %dma_start3A_229 = tpu.memref_slice %arg5[%add3A_227, %dma_start3A_228] : memref<204800x128xf32, #tpu.memory_space<hbm>> -> memref<200x128xf32, #tpu.memory_space<hbm>>
      %dma_start3A_230 = arith.constant 0 : i32
      %dma_start3A_231 = tpu.memref_slice %arg5[%add3A_227, %dma_start3A_230] : memref<204800x128xf32, #tpu.memory_space<hbm>> -> memref<200x128xf32, #tpu.memory_space<hbm>>
      tpu.enqueue_dma source(%arg8 : memref<200x128xf32, #tpu.memory_space<vmem>>) target(%dma_start3A_231 : memref<200x128xf32, #tpu.memory_space<hbm>>) target_semaphore(%arg20 : memref<!tpu.dma_semaphore, #tpu.memory_space<semaphore_mem>>)
      %mul3A_232 = arith.constant 4 : i32
      %mul3A_233 = arith.muli %scan3A_197, %mul3A_232 : i32
      %add3A_234 = arith.constant 1 : i32
      %add3A_235 = arith.addi %mul3A_233, %add3A_234 : i32
      %add3A_236 = arith.constant 2 : i32
      %add3A_237 = arith.addi %add3A_235, %add3A_236 : i32
      %add3A_238 = arith.constant 1 : i32
      %add3A_239 = arith.addi %add3A_235, %add3A_238 : i32
      tpu.wait_dma2 semaphore(%arg14 : memref<!tpu.dma_semaphore, #tpu.memory_space<semaphore_mem>>) src(%arg7 : memref<200x128xf32, #tpu.memory_space<vmem_shared>>) dst(%arg10 : memref<200x128xf32, #tpu.memory_space<vmem>>)
      %add3A_240 = arith.constant 1 : i32
      %add3A_241 = arith.addi %add3A_235, %add3A_240 : i32
      %mul3A_242 = arith.constant 200 : i32
      %mul3A_243 = arith.muli %add3A_241, %mul3A_242 : i32
      %dma_start3A_244 = tpu.memref_slice %arg6[%mul3A_243] : memref<6400xi32, #tpu.memory_space<vmem>> -> memref<200xi32, #tpu.memory_space<vmem>>
      %dma_start3A_245 = arith.constant 0 : i32
      %dma_start3A_246 = arith.constant 0 : i32
      %dma_start3A_247 = tpu.memref_slice %arg3[%dma_start3A_245, %dma_start3A_246] : memref<100000x128xf32, #tpu.memory_space<hbm>> -> memref<100000x128xf32, #tpu.memory_space<hbm>>
      tpu.enqueue_indirect_dma source(%dma_start3A_247 : memref<100000x128xf32, #tpu.memory_space<hbm>>) target(%arg10 : memref<200x128xf32, #tpu.memory_space<vmem>>) offsets(%dma_start3A_244 : memref<200xi32, #tpu.memory_space<vmem>>) semaphore(%arg18 : memref<!tpu.dma_semaphore, #tpu.memory_space<semaphore_mem>>) {add = true}
      %ge3A_248 = arith.constant 2 : i32
      %ge3A_249 = arith.cmpi sge, %add3A_235, %ge3A_248 : i32
      %convert_element_type3A_250 = arith.extui %ge3A_249 : i1 to i32
      %cond3A_251 = arith.constant 0 : i32
      %cond3A_252 = arith.cmpi ne, %convert_element_type3A_250, %cond3A_251 : i32
      scf.if %cond3A_252 {
        %sub3A = arith.constant 2 : i32
        %sub3A_335 = arith.subi %add3A_235, %sub3A : i32
        %mul3A_336 = arith.constant 200 : i32
        %mul3A_337 = arith.muli %sub3A_335, %mul3A_336 : i32
        %add3A_338 = arith.addi %mul3A_2, %mul3A_337 : i32
        %dma_wait3A_339 = arith.constant 0 : i32
        %dma_wait3A_340 = tpu.memref_slice %arg5[%add3A_338, %dma_wait3A_339] : memref<204800x128xf32, #tpu.memory_space<hbm>> -> memref<200x128xf32, #tpu.memory_space<hbm>>
        %dma_wait3A_341 = arith.constant 0 : i32
        %dma_wait3A_342 = tpu.memref_slice %arg5[%add3A_338, %dma_wait3A_341] : memref<204800x128xf32, #tpu.memory_space<hbm>> -> memref<200x128xf32, #tpu.memory_space<hbm>>
        tpu.wait_dma2 semaphore(%arg23 : memref<!tpu.dma_semaphore, #tpu.memory_space<semaphore_mem>>) src(%arg11 : memref<200x128xf32, #tpu.memory_space<vmem>>) dst(%dma_wait3A_342 : memref<200x128xf32, #tpu.memory_space<hbm>>)
      } else {
      }
      tpu.enqueue_dma source(%arg7 : memref<200x128xf32, #tpu.memory_space<vmem_shared>>) target(%arg11 : memref<200x128xf32, #tpu.memory_space<vmem>>) target_semaphore(%arg15 : memref<!tpu.dma_semaphore, #tpu.memory_space<semaphore_mem>>)
      %mul3A_253 = arith.constant 200 : i32
      %mul3A_254 = arith.muli %add3A_235, %mul3A_253 : i32
      %dma_wait3A_255 = tpu.memref_slice %arg6[%mul3A_254] : memref<6400xi32, #tpu.memory_space<vmem>> -> memref<200xi32, #tpu.memory_space<vmem>>
      %dma_wait3A_256 = arith.constant 0 : i32
      %dma_wait3A_257 = arith.constant 0 : i32
      %dma_wait3A_258 = tpu.memref_slice %arg3[%dma_wait3A_256, %dma_wait3A_257] : memref<100000x128xf32, #tpu.memory_space<hbm>> -> memref<100000x128xf32, #tpu.memory_space<hbm>>
      tpu.wait_indirect_dma semaphore(%arg17 : memref<!tpu.dma_semaphore, #tpu.memory_space<semaphore_mem>>) src(%dma_wait3A_258 : memref<100000x128xf32, #tpu.memory_space<hbm>>) dst(%arg9 : memref<200x128xf32, #tpu.memory_space<vmem>>)
      %mul3A_259 = arith.constant 200 : i32
      %mul3A_260 = arith.muli %add3A_235, %mul3A_259 : i32
      %add3A_261 = arith.addi %mul3A_2, %mul3A_260 : i32
      %dma_start3A_262 = arith.constant 0 : i32
      %dma_start3A_263 = tpu.memref_slice %arg5[%add3A_261, %dma_start3A_262] : memref<204800x128xf32, #tpu.memory_space<hbm>> -> memref<200x128xf32, #tpu.memory_space<hbm>>
      %dma_start3A_264 = arith.constant 0 : i32
      %dma_start3A_265 = tpu.memref_slice %arg5[%add3A_261, %dma_start3A_264] : memref<204800x128xf32, #tpu.memory_space<hbm>> -> memref<200x128xf32, #tpu.memory_space<hbm>>
      tpu.enqueue_dma source(%arg9 : memref<200x128xf32, #tpu.memory_space<vmem>>) target(%dma_start3A_265 : memref<200x128xf32, #tpu.memory_space<hbm>>) target_semaphore(%arg21 : memref<!tpu.dma_semaphore, #tpu.memory_space<semaphore_mem>>)
      %mul3A_266 = arith.constant 4 : i32
      %mul3A_267 = arith.muli %scan3A_197, %mul3A_266 : i32
      %add3A_268 = arith.constant 2 : i32
      %add3A_269 = arith.addi %mul3A_267, %add3A_268 : i32
      %add3A_270 = arith.constant 2 : i32
      %add3A_271 = arith.addi %add3A_269, %add3A_270 : i32
      %add3A_272 = arith.constant 1 : i32
      %add3A_273 = arith.addi %add3A_269, %add3A_272 : i32
      tpu.wait_dma2 semaphore(%arg15 : memref<!tpu.dma_semaphore, #tpu.memory_space<semaphore_mem>>) src(%arg7 : memref<200x128xf32, #tpu.memory_space<vmem_shared>>) dst(%arg11 : memref<200x128xf32, #tpu.memory_space<vmem>>)
      %add3A_274 = arith.constant 1 : i32
      %add3A_275 = arith.addi %add3A_269, %add3A_274 : i32
      %mul3A_276 = arith.constant 200 : i32
      %mul3A_277 = arith.muli %add3A_275, %mul3A_276 : i32
      %dma_start3A_278 = tpu.memref_slice %arg6[%mul3A_277] : memref<6400xi32, #tpu.memory_space<vmem>> -> memref<200xi32, #tpu.memory_space<vmem>>
      %dma_start3A_279 = arith.constant 0 : i32
      %dma_start3A_280 = arith.constant 0 : i32
      %dma_start3A_281 = tpu.memref_slice %arg3[%dma_start3A_279, %dma_start3A_280] : memref<100000x128xf32, #tpu.memory_space<hbm>> -> memref<100000x128xf32, #tpu.memory_space<hbm>>
      tpu.enqueue_indirect_dma source(%dma_start3A_281 : memref<100000x128xf32, #tpu.memory_space<hbm>>) target(%arg11 : memref<200x128xf32, #tpu.memory_space<vmem>>) offsets(%dma_start3A_278 : memref<200xi32, #tpu.memory_space<vmem>>) semaphore(%arg19 : memref<!tpu.dma_semaphore, #tpu.memory_space<semaphore_mem>>) {add = true}
      %ge3A_282 = arith.constant 2 : i32
      %ge3A_283 = arith.cmpi sge, %add3A_269, %ge3A_282 : i32
      %convert_element_type3A_284 = arith.extui %ge3A_283 : i1 to i32
      %cond3A_285 = arith.constant 0 : i32
      %cond3A_286 = arith.cmpi ne, %convert_element_type3A_284, %cond3A_285 : i32
      scf.if %cond3A_286 {
        %sub3A = arith.constant 2 : i32
        %sub3A_335 = arith.subi %add3A_269, %sub3A : i32
        %mul3A_336 = arith.constant 200 : i32
        %mul3A_337 = arith.muli %sub3A_335, %mul3A_336 : i32
        %add3A_338 = arith.addi %mul3A_2, %mul3A_337 : i32
        %dma_wait3A_339 = arith.constant 0 : i32
        %dma_wait3A_340 = tpu.memref_slice %arg5[%add3A_338, %dma_wait3A_339] : memref<204800x128xf32, #tpu.memory_space<hbm>> -> memref<200x128xf32, #tpu.memory_space<hbm>>
        %dma_wait3A_341 = arith.constant 0 : i32
        %dma_wait3A_342 = tpu.memref_slice %arg5[%add3A_338, %dma_wait3A_341] : memref<204800x128xf32, #tpu.memory_space<hbm>> -> memref<200x128xf32, #tpu.memory_space<hbm>>
        tpu.wait_dma2 semaphore(%arg20 : memref<!tpu.dma_semaphore, #tpu.memory_space<semaphore_mem>>) src(%arg8 : memref<200x128xf32, #tpu.memory_space<vmem>>) dst(%dma_wait3A_342 : memref<200x128xf32, #tpu.memory_space<hbm>>)
      } else {
      }
      tpu.enqueue_dma source(%arg7 : memref<200x128xf32, #tpu.memory_space<vmem_shared>>) target(%arg8 : memref<200x128xf32, #tpu.memory_space<vmem>>) target_semaphore(%arg12 : memref<!tpu.dma_semaphore, #tpu.memory_space<semaphore_mem>>)
      %mul3A_287 = arith.constant 200 : i32
      %mul3A_288 = arith.muli %add3A_269, %mul3A_287 : i32
      %dma_wait3A_289 = tpu.memref_slice %arg6[%mul3A_288] : memref<6400xi32, #tpu.memory_space<vmem>> -> memref<200xi32, #tpu.memory_space<vmem>>
      %dma_wait3A_290 = arith.constant 0 : i32
      %dma_wait3A_291 = arith.constant 0 : i32
      %dma_wait3A_292 = tpu.memref_slice %arg3[%dma_wait3A_290, %dma_wait3A_291] : memref<100000x128xf32, #tpu.memory_space<hbm>> -> memref<100000x128xf32, #tpu.memory_space<hbm>>
      tpu.wait_indirect_dma semaphore(%arg18 : memref<!tpu.dma_semaphore, #tpu.memory_space<semaphore_mem>>) src(%dma_wait3A_292 : memref<100000x128xf32, #tpu.memory_space<hbm>>) dst(%arg10 : memref<200x128xf32, #tpu.memory_space<vmem>>)
      %mul3A_293 = arith.constant 200 : i32
      %mul3A_294 = arith.muli %add3A_269, %mul3A_293 : i32
      %add3A_295 = arith.addi %mul3A_2, %mul3A_294 : i32
      %dma_start3A_296 = arith.constant 0 : i32
      %dma_start3A_297 = tpu.memref_slice %arg5[%add3A_295, %dma_start3A_296] : memref<204800x128xf32, #tpu.memory_space<hbm>> -> memref<200x128xf32, #tpu.memory_space<hbm>>
      %dma_start3A_298 = arith.constant 0 : i32
      %dma_start3A_299 = tpu.memref_slice %arg5[%add3A_295, %dma_start3A_298] : memref<204800x128xf32, #tpu.memory_space<hbm>> -> memref<200x128xf32, #tpu.memory_space<hbm>>
      tpu.enqueue_dma source(%arg10 : memref<200x128xf32, #tpu.memory_space<vmem>>) target(%dma_start3A_299 : memref<200x128xf32, #tpu.memory_space<hbm>>) target_semaphore(%arg22 : memref<!tpu.dma_semaphore, #tpu.memory_space<semaphore_mem>>)
      %mul3A_300 = arith.constant 4 : i32
      %mul3A_301 = arith.muli %scan3A_197, %mul3A_300 : i32
      %add3A_302 = arith.constant 3 : i32
      %add3A_303 = arith.addi %mul3A_301, %add3A_302 : i32
      %add3A_304 = arith.constant 2 : i32
      %add3A_305 = arith.addi %add3A_303, %add3A_304 : i32
      %add3A_306 = arith.constant 1 : i32
      %add3A_307 = arith.addi %add3A_303, %add3A_306 : i32
      tpu.wait_dma2 semaphore(%arg12 : memref<!tpu.dma_semaphore, #tpu.memory_space<semaphore_mem>>) src(%arg7 : memref<200x128xf32, #tpu.memory_space<vmem_shared>>) dst(%arg8 : memref<200x128xf32, #tpu.memory_space<vmem>>)
      %add3A_308 = arith.constant 1 : i32
      %add3A_309 = arith.addi %add3A_303, %add3A_308 : i32
      %mul3A_310 = arith.constant 200 : i32
      %mul3A_311 = arith.muli %add3A_309, %mul3A_310 : i32
      %dma_start3A_312 = tpu.memref_slice %arg6[%mul3A_311] : memref<6400xi32, #tpu.memory_space<vmem>> -> memref<200xi32, #tpu.memory_space<vmem>>
      %dma_start3A_313 = arith.constant 0 : i32
      %dma_start3A_314 = arith.constant 0 : i32
      %dma_start3A_315 = tpu.memref_slice %arg3[%dma_start3A_313, %dma_start3A_314] : memref<100000x128xf32, #tpu.memory_space<hbm>> -> memref<100000x128xf32, #tpu.memory_space<hbm>>
      tpu.enqueue_indirect_dma source(%dma_start3A_315 : memref<100000x128xf32, #tpu.memory_space<hbm>>) target(%arg8 : memref<200x128xf32, #tpu.memory_space<vmem>>) offsets(%dma_start3A_312 : memref<200xi32, #tpu.memory_space<vmem>>) semaphore(%arg16 : memref<!tpu.dma_semaphore, #tpu.memory_space<semaphore_mem>>) {add = true}
      %ge3A_316 = arith.constant 2 : i32
      %ge3A_317 = arith.cmpi sge, %add3A_303, %ge3A_316 : i32
      %convert_element_type3A_318 = arith.extui %ge3A_317 : i1 to i32
      %cond3A_319 = arith.constant 0 : i32
      %cond3A_320 = arith.cmpi ne, %convert_element_type3A_318, %cond3A_319 : i32
      scf.if %cond3A_320 {
        %sub3A = arith.constant 2 : i32
        %sub3A_335 = arith.subi %add3A_303, %sub3A : i32
        %mul3A_336 = arith.constant 200 : i32
        %mul3A_337 = arith.muli %sub3A_335, %mul3A_336 : i32
        %add3A_338 = arith.addi %mul3A_2, %mul3A_337 : i32
        %dma_wait3A_339 = arith.constant 0 : i32
        %dma_wait3A_340 = tpu.memref_slice %arg5[%add3A_338, %dma_wait3A_339] : memref<204800x128xf32, #tpu.memory_space<hbm>> -> memref<200x128xf32, #tpu.memory_space<hbm>>
        %dma_wait3A_341 = arith.constant 0 : i32
        %dma_wait3A_342 = tpu.memref_slice %arg5[%add3A_338, %dma_wait3A_341] : memref<204800x128xf32, #tpu.memory_space<hbm>> -> memref<200x128xf32, #tpu.memory_space<hbm>>
        tpu.wait_dma2 semaphore(%arg21 : memref<!tpu.dma_semaphore, #tpu.memory_space<semaphore_mem>>) src(%arg9 : memref<200x128xf32, #tpu.memory_space<vmem>>) dst(%dma_wait3A_342 : memref<200x128xf32, #tpu.memory_space<hbm>>)
      } else {
      }
      tpu.enqueue_dma source(%arg7 : memref<200x128xf32, #tpu.memory_space<vmem_shared>>) target(%arg9 : memref<200x128xf32, #tpu.memory_space<vmem>>) target_semaphore(%arg13 : memref<!tpu.dma_semaphore, #tpu.memory_space<semaphore_mem>>)
      %mul3A_321 = arith.constant 200 : i32
      %mul3A_322 = arith.muli %add3A_303, %mul3A_321 : i32
      %dma_wait3A_323 = tpu.memref_slice %arg6[%mul3A_322] : memref<6400xi32, #tpu.memory_space<vmem>> -> memref<200xi32, #tpu.memory_space<vmem>>
      %dma_wait3A_324 = arith.constant 0 : i32
      %dma_wait3A_325 = arith.constant 0 : i32
      %dma_wait3A_326 = tpu.memref_slice %arg3[%dma_wait3A_324, %dma_wait3A_325] : memref<100000x128xf32, #tpu.memory_space<hbm>> -> memref<100000x128xf32, #tpu.memory_space<hbm>>
      tpu.wait_indirect_dma semaphore(%arg19 : memref<!tpu.dma_semaphore, #tpu.memory_space<semaphore_mem>>) src(%dma_wait3A_326 : memref<100000x128xf32, #tpu.memory_space<hbm>>) dst(%arg11 : memref<200x128xf32, #tpu.memory_space<vmem>>)
      %mul3A_327 = arith.constant 200 : i32
      %mul3A_328 = arith.muli %add3A_303, %mul3A_327 : i32
      %add3A_329 = arith.addi %mul3A_2, %mul3A_328 : i32
      %dma_start3A_330 = arith.constant 0 : i32
      %dma_start3A_331 = tpu.memref_slice %arg5[%add3A_329, %dma_start3A_330] : memref<204800x128xf32, #tpu.memory_space<hbm>> -> memref<200x128xf32, #tpu.memory_space<hbm>>
      %dma_start3A_332 = arith.constant 0 : i32
      %dma_start3A_333 = tpu.memref_slice %arg5[%add3A_329, %dma_start3A_332] : memref<204800x128xf32, #tpu.memory_space<hbm>> -> memref<200x128xf32, #tpu.memory_space<hbm>>
      tpu.enqueue_dma source(%arg11 : memref<200x128xf32, #tpu.memory_space<vmem>>) target(%dma_start3A_333 : memref<200x128xf32, #tpu.memory_space<hbm>>) target_semaphore(%arg23 : memref<!tpu.dma_semaphore, #tpu.memory_space<semaphore_mem>>)
      %scan3A_334 = arith.constant 0 : i32
      scf.yield %scan3A_334 : i32
    }
    %scan3A_14 = arith.constant 6 : i32
    tpu.wait_dma2 semaphore(%arg13 : memref<!tpu.dma_semaphore, #tpu.memory_space<semaphore_mem>>) src(%arg7 : memref<200x128xf32, #tpu.memory_space<vmem_shared>>) dst(%arg9 : memref<200x128xf32, #tpu.memory_space<vmem>>)
    %dma_start3A_15 = arith.constant 5000 : i32
    %dma_start3A_16 = tpu.memref_slice %arg6[%dma_start3A_15] : memref<6400xi32, #tpu.memory_space<vmem>> -> memref<200xi32, #tpu.memory_space<vmem>>
    %dma_start3A_17 = arith.constant 0 : i32
    %dma_start3A_18 = arith.constant 0 : i32
    %dma_start3A_19 = tpu.memref_slice %arg3[%dma_start3A_17, %dma_start3A_18] : memref<100000x128xf32, #tpu.memory_space<hbm>> -> memref<100000x128xf32, #tpu.memory_space<hbm>>
    tpu.enqueue_indirect_dma source(%dma_start3A_19 : memref<100000x128xf32, #tpu.memory_space<hbm>>) target(%arg9 : memref<200x128xf32, #tpu.memory_space<vmem>>) offsets(%dma_start3A_16 : memref<200xi32, #tpu.memory_space<vmem>>) semaphore(%arg17 : memref<!tpu.dma_semaphore, #tpu.memory_space<semaphore_mem>>) {add = true}
    %add3A_20 = arith.constant 4400 : i32
    %add3A_21 = arith.addi %mul3A_2, %add3A_20 : i32
    %dma_wait3A = arith.constant 0 : i32
    %dma_wait3A_22 = tpu.memref_slice %arg5[%add3A_21, %dma_wait3A] : memref<204800x128xf32, #tpu.memory_space<hbm>> -> memref<200x128xf32, #tpu.memory_space<hbm>>
    %dma_wait3A_23 = arith.constant 0 : i32
    %dma_wait3A_24 = tpu.memref_slice %arg5[%add3A_21, %dma_wait3A_23] : memref<204800x128xf32, #tpu.memory_space<hbm>> -> memref<200x128xf32, #tpu.memory_space<hbm>>
    tpu.wait_dma2 semaphore(%arg22 : memref<!tpu.dma_semaphore, #tpu.memory_space<semaphore_mem>>) src(%arg10 : memref<200x128xf32, #tpu.memory_space<vmem>>) dst(%dma_wait3A_24 : memref<200x128xf32, #tpu.memory_space<hbm>>)
    tpu.enqueue_dma source(%arg7 : memref<200x128xf32, #tpu.memory_space<vmem_shared>>) target(%arg10 : memref<200x128xf32, #tpu.memory_space<vmem>>) target_semaphore(%arg14 : memref<!tpu.dma_semaphore, #tpu.memory_space<semaphore_mem>>)
    %dma_wait3A_25 = arith.constant 4800 : i32
    %dma_wait3A_26 = tpu.memref_slice %arg6[%dma_wait3A_25] : memref<6400xi32, #tpu.memory_space<vmem>> -> memref<200xi32, #tpu.memory_space<vmem>>
    %dma_wait3A_27 = arith.constant 0 : i32
    %dma_wait3A_28 = arith.constant 0 : i32
    %dma_wait3A_29 = tpu.memref_slice %arg3[%dma_wait3A_27, %dma_wait3A_28] : memref<100000x128xf32, #tpu.memory_space<hbm>> -> memref<100000x128xf32, #tpu.memory_space<hbm>>
    tpu.wait_indirect_dma semaphore(%arg16 : memref<!tpu.dma_semaphore, #tpu.memory_space<semaphore_mem>>) src(%dma_wait3A_29 : memref<100000x128xf32, #tpu.memory_space<hbm>>) dst(%arg8 : memref<200x128xf32, #tpu.memory_space<vmem>>)
    %add3A_30 = arith.constant 4800 : i32
    %add3A_31 = arith.addi %mul3A_2, %add3A_30 : i32
    %dma_start3A_32 = arith.constant 0 : i32
    %dma_start3A_33 = tpu.memref_slice %arg5[%add3A_31, %dma_start3A_32] : memref<204800x128xf32, #tpu.memory_space<hbm>> -> memref<200x128xf32, #tpu.memory_space<hbm>>
    %dma_start3A_34 = arith.constant 0 : i32
    %dma_start3A_35 = tpu.memref_slice %arg5[%add3A_31, %dma_start3A_34] : memref<204800x128xf32, #tpu.memory_space<hbm>> -> memref<200x128xf32, #tpu.memory_space<hbm>>
    tpu.enqueue_dma source(%arg8 : memref<200x128xf32, #tpu.memory_space<vmem>>) target(%dma_start3A_35 : memref<200x128xf32, #tpu.memory_space<hbm>>) target_semaphore(%arg20 : memref<!tpu.dma_semaphore, #tpu.memory_space<semaphore_mem>>)
    tpu.wait_dma2 semaphore(%arg14 : memref<!tpu.dma_semaphore, #tpu.memory_space<semaphore_mem>>) src(%arg7 : memref<200x128xf32, #tpu.memory_space<vmem_shared>>) dst(%arg10 : memref<200x128xf32, #tpu.memory_space<vmem>>)
    %dma_start3A_36 = arith.constant 5200 : i32
    %dma_start3A_37 = tpu.memref_slice %arg6[%dma_start3A_36] : memref<6400xi32, #tpu.memory_space<vmem>> -> memref<200xi32, #tpu.memory_space<vmem>>
    %dma_start3A_38 = arith.constant 0 : i32
    %dma_start3A_39 = arith.constant 0 : i32
    %dma_start3A_40 = tpu.memref_slice %arg3[%dma_start3A_38, %dma_start3A_39] : memref<100000x128xf32, #tpu.memory_space<hbm>> -> memref<100000x128xf32, #tpu.memory_space<hbm>>
    tpu.enqueue_indirect_dma source(%dma_start3A_40 : memref<100000x128xf32, #tpu.memory_space<hbm>>) target(%arg10 : memref<200x128xf32, #tpu.memory_space<vmem>>) offsets(%dma_start3A_37 : memref<200xi32, #tpu.memory_space<vmem>>) semaphore(%arg18 : memref<!tpu.dma_semaphore, #tpu.memory_space<semaphore_mem>>) {add = true}
    %add3A_41 = arith.constant 4600 : i32
    %add3A_42 = arith.addi %mul3A_2, %add3A_41 : i32
    %dma_wait3A_43 = arith.constant 0 : i32
    %dma_wait3A_44 = tpu.memref_slice %arg5[%add3A_42, %dma_wait3A_43] : memref<204800x128xf32, #tpu.memory_space<hbm>> -> memref<200x128xf32, #tpu.memory_space<hbm>>
    %dma_wait3A_45 = arith.constant 0 : i32
    %dma_wait3A_46 = tpu.memref_slice %arg5[%add3A_42, %dma_wait3A_45] : memref<204800x128xf32, #tpu.memory_space<hbm>> -> memref<200x128xf32, #tpu.memory_space<hbm>>
    tpu.wait_dma2 semaphore(%arg23 : memref<!tpu.dma_semaphore, #tpu.memory_space<semaphore_mem>>) src(%arg11 : memref<200x128xf32, #tpu.memory_space<vmem>>) dst(%dma_wait3A_46 : memref<200x128xf32, #tpu.memory_space<hbm>>)
    tpu.enqueue_dma source(%arg7 : memref<200x128xf32, #tpu.memory_space<vmem_shared>>) target(%arg11 : memref<200x128xf32, #tpu.memory_space<vmem>>) target_semaphore(%arg15 : memref<!tpu.dma_semaphore, #tpu.memory_space<semaphore_mem>>)
    %dma_wait3A_47 = arith.constant 5000 : i32
    %dma_wait3A_48 = tpu.memref_slice %arg6[%dma_wait3A_47] : memref<6400xi32, #tpu.memory_space<vmem>> -> memref<200xi32, #tpu.memory_space<vmem>>
    %dma_wait3A_49 = arith.constant 0 : i32
    %dma_wait3A_50 = arith.constant 0 : i32
    %dma_wait3A_51 = tpu.memref_slice %arg3[%dma_wait3A_49, %dma_wait3A_50] : memref<100000x128xf32, #tpu.memory_space<hbm>> -> memref<100000x128xf32, #tpu.memory_space<hbm>>
    tpu.wait_indirect_dma semaphore(%arg17 : memref<!tpu.dma_semaphore, #tpu.memory_space<semaphore_mem>>) src(%dma_wait3A_51 : memref<100000x128xf32, #tpu.memory_space<hbm>>) dst(%arg9 : memref<200x128xf32, #tpu.memory_space<vmem>>)
    %add3A_52 = arith.constant 5000 : i32
    %add3A_53 = arith.addi %mul3A_2, %add3A_52 : i32
    %dma_start3A_54 = arith.constant 0 : i32
    %dma_start3A_55 = tpu.memref_slice %arg5[%add3A_53, %dma_start3A_54] : memref<204800x128xf32, #tpu.memory_space<hbm>> -> memref<200x128xf32, #tpu.memory_space<hbm>>
    %dma_start3A_56 = arith.constant 0 : i32
    %dma_start3A_57 = tpu.memref_slice %arg5[%add3A_53, %dma_start3A_56] : memref<204800x128xf32, #tpu.memory_space<hbm>> -> memref<200x128xf32, #tpu.memory_space<hbm>>
    tpu.enqueue_dma source(%arg9 : memref<200x128xf32, #tpu.memory_space<vmem>>) target(%dma_start3A_57 : memref<200x128xf32, #tpu.memory_space<hbm>>) target_semaphore(%arg21 : memref<!tpu.dma_semaphore, #tpu.memory_space<semaphore_mem>>)
    tpu.wait_dma2 semaphore(%arg15 : memref<!tpu.dma_semaphore, #tpu.memory_space<semaphore_mem>>) src(%arg7 : memref<200x128xf32, #tpu.memory_space<vmem_shared>>) dst(%arg11 : memref<200x128xf32, #tpu.memory_space<vmem>>)
    %dma_start3A_58 = arith.constant 5400 : i32
    %dma_start3A_59 = tpu.memref_slice %arg6[%dma_start3A_58] : memref<6400xi32, #tpu.memory_space<vmem>> -> memref<200xi32, #tpu.memory_space<vmem>>
    %dma_start3A_60 = arith.constant 0 : i32
    %dma_start3A_61 = arith.constant 0 : i32
    %dma_start3A_62 = tpu.memref_slice %arg3[%dma_start3A_60, %dma_start3A_61] : memref<100000x128xf32, #tpu.memory_space<hbm>> -> memref<100000x128xf32, #tpu.memory_space<hbm>>
    tpu.enqueue_indirect_dma source(%dma_start3A_62 : memref<100000x128xf32, #tpu.memory_space<hbm>>) target(%arg11 : memref<200x128xf32, #tpu.memory_space<vmem>>) offsets(%dma_start3A_59 : memref<200xi32, #tpu.memory_space<vmem>>) semaphore(%arg19 : memref<!tpu.dma_semaphore, #tpu.memory_space<semaphore_mem>>) {add = true}
    %add3A_63 = arith.constant 4800 : i32
    %add3A_64 = arith.addi %mul3A_2, %add3A_63 : i32
    %dma_wait3A_65 = arith.constant 0 : i32
    %dma_wait3A_66 = tpu.memref_slice %arg5[%add3A_64, %dma_wait3A_65] : memref<204800x128xf32, #tpu.memory_space<hbm>> -> memref<200x128xf32, #tpu.memory_space<hbm>>
    %dma_wait3A_67 = arith.constant 0 : i32
    %dma_wait3A_68 = tpu.memref_slice %arg5[%add3A_64, %dma_wait3A_67] : memref<204800x128xf32, #tpu.memory_space<hbm>> -> memref<200x128xf32, #tpu.memory_space<hbm>>
    tpu.wait_dma2 semaphore(%arg20 : memref<!tpu.dma_semaphore, #tpu.memory_space<semaphore_mem>>) src(%arg8 : memref<200x128xf32, #tpu.memory_space<vmem>>) dst(%dma_wait3A_68 : memref<200x128xf32, #tpu.memory_space<hbm>>)
    tpu.enqueue_dma source(%arg7 : memref<200x128xf32, #tpu.memory_space<vmem_shared>>) target(%arg8 : memref<200x128xf32, #tpu.memory_space<vmem>>) target_semaphore(%arg12 : memref<!tpu.dma_semaphore, #tpu.memory_space<semaphore_mem>>)
    %dma_wait3A_69 = arith.constant 5200 : i32
    %dma_wait3A_70 = tpu.memref_slice %arg6[%dma_wait3A_69] : memref<6400xi32, #tpu.memory_space<vmem>> -> memref<200xi32, #tpu.memory_space<vmem>>
    %dma_wait3A_71 = arith.constant 0 : i32
    %dma_wait3A_72 = arith.constant 0 : i32
    %dma_wait3A_73 = tpu.memref_slice %arg3[%dma_wait3A_71, %dma_wait3A_72] : memref<100000x128xf32, #tpu.memory_space<hbm>> -> memref<100000x128xf32, #tpu.memory_space<hbm>>
    tpu.wait_indirect_dma semaphore(%arg18 : memref<!tpu.dma_semaphore, #tpu.memory_space<semaphore_mem>>) src(%dma_wait3A_73 : memref<100000x128xf32, #tpu.memory_space<hbm>>) dst(%arg10 : memref<200x128xf32, #tpu.memory_space<vmem>>)
    %add3A_74 = arith.constant 5200 : i32
    %add3A_75 = arith.addi %mul3A_2, %add3A_74 : i32
    %dma_start3A_76 = arith.constant 0 : i32
    %dma_start3A_77 = tpu.memref_slice %arg5[%add3A_75, %dma_start3A_76] : memref<204800x128xf32, #tpu.memory_space<hbm>> -> memref<200x128xf32, #tpu.memory_space<hbm>>
    %dma_start3A_78 = arith.constant 0 : i32
    %dma_start3A_79 = tpu.memref_slice %arg5[%add3A_75, %dma_start3A_78] : memref<204800x128xf32, #tpu.memory_space<hbm>> -> memref<200x128xf32, #tpu.memory_space<hbm>>
    tpu.enqueue_dma source(%arg10 : memref<200x128xf32, #tpu.memory_space<vmem>>) target(%dma_start3A_79 : memref<200x128xf32, #tpu.memory_space<hbm>>) target_semaphore(%arg22 : memref<!tpu.dma_semaphore, #tpu.memory_space<semaphore_mem>>)
    tpu.wait_dma2 semaphore(%arg12 : memref<!tpu.dma_semaphore, #tpu.memory_space<semaphore_mem>>) src(%arg7 : memref<200x128xf32, #tpu.memory_space<vmem_shared>>) dst(%arg8 : memref<200x128xf32, #tpu.memory_space<vmem>>)
    %dma_start3A_80 = arith.constant 5600 : i32
    %dma_start3A_81 = tpu.memref_slice %arg6[%dma_start3A_80] : memref<6400xi32, #tpu.memory_space<vmem>> -> memref<200xi32, #tpu.memory_space<vmem>>
    %dma_start3A_82 = arith.constant 0 : i32
    %dma_start3A_83 = arith.constant 0 : i32
    %dma_start3A_84 = tpu.memref_slice %arg3[%dma_start3A_82, %dma_start3A_83] : memref<100000x128xf32, #tpu.memory_space<hbm>> -> memref<100000x128xf32, #tpu.memory_space<hbm>>
    tpu.enqueue_indirect_dma source(%dma_start3A_84 : memref<100000x128xf32, #tpu.memory_space<hbm>>) target(%arg8 : memref<200x128xf32, #tpu.memory_space<vmem>>) offsets(%dma_start3A_81 : memref<200xi32, #tpu.memory_space<vmem>>) semaphore(%arg16 : memref<!tpu.dma_semaphore, #tpu.memory_space<semaphore_mem>>) {add = true}
    %add3A_85 = arith.constant 5000 : i32
    %add3A_86 = arith.addi %mul3A_2, %add3A_85 : i32
    %dma_wait3A_87 = arith.constant 0 : i32
    %dma_wait3A_88 = tpu.memref_slice %arg5[%add3A_86, %dma_wait3A_87] : memref<204800x128xf32, #tpu.memory_space<hbm>> -> memref<200x128xf32, #tpu.memory_space<hbm>>
    %dma_wait3A_89 = arith.constant 0 : i32
    %dma_wait3A_90 = tpu.memref_slice %arg5[%add3A_86, %dma_wait3A_89] : memref<204800x128xf32, #tpu.memory_space<hbm>> -> memref<200x128xf32, #tpu.memory_space<hbm>>
    tpu.wait_dma2 semaphore(%arg21 : memref<!tpu.dma_semaphore, #tpu.memory_space<semaphore_mem>>) src(%arg9 : memref<200x128xf32, #tpu.memory_space<vmem>>) dst(%dma_wait3A_90 : memref<200x128xf32, #tpu.memory_space<hbm>>)
    tpu.enqueue_dma source(%arg7 : memref<200x128xf32, #tpu.memory_space<vmem_shared>>) target(%arg9 : memref<200x128xf32, #tpu.memory_space<vmem>>) target_semaphore(%arg13 : memref<!tpu.dma_semaphore, #tpu.memory_space<semaphore_mem>>)
    %dma_wait3A_91 = arith.constant 5400 : i32
    %dma_wait3A_92 = tpu.memref_slice %arg6[%dma_wait3A_91] : memref<6400xi32, #tpu.memory_space<vmem>> -> memref<200xi32, #tpu.memory_space<vmem>>
    %dma_wait3A_93 = arith.constant 0 : i32
    %dma_wait3A_94 = arith.constant 0 : i32
    %dma_wait3A_95 = tpu.memref_slice %arg3[%dma_wait3A_93, %dma_wait3A_94] : memref<100000x128xf32, #tpu.memory_space<hbm>> -> memref<100000x128xf32, #tpu.memory_space<hbm>>
    tpu.wait_indirect_dma semaphore(%arg19 : memref<!tpu.dma_semaphore, #tpu.memory_space<semaphore_mem>>) src(%dma_wait3A_95 : memref<100000x128xf32, #tpu.memory_space<hbm>>) dst(%arg11 : memref<200x128xf32, #tpu.memory_space<vmem>>)
    %add3A_96 = arith.constant 5400 : i32
    %add3A_97 = arith.addi %mul3A_2, %add3A_96 : i32
    %dma_start3A_98 = arith.constant 0 : i32
    %dma_start3A_99 = tpu.memref_slice %arg5[%add3A_97, %dma_start3A_98] : memref<204800x128xf32, #tpu.memory_space<hbm>> -> memref<200x128xf32, #tpu.memory_space<hbm>>
    %dma_start3A_100 = arith.constant 0 : i32
    %dma_start3A_101 = tpu.memref_slice %arg5[%add3A_97, %dma_start3A_100] : memref<204800x128xf32, #tpu.memory_space<hbm>> -> memref<200x128xf32, #tpu.memory_space<hbm>>
    tpu.enqueue_dma source(%arg11 : memref<200x128xf32, #tpu.memory_space<vmem>>) target(%dma_start3A_101 : memref<200x128xf32, #tpu.memory_space<hbm>>) target_semaphore(%arg23 : memref<!tpu.dma_semaphore, #tpu.memory_space<semaphore_mem>>)
    tpu.wait_dma2 semaphore(%arg13 : memref<!tpu.dma_semaphore, #tpu.memory_space<semaphore_mem>>) src(%arg7 : memref<200x128xf32, #tpu.memory_space<vmem_shared>>) dst(%arg9 : memref<200x128xf32, #tpu.memory_space<vmem>>)
    %dma_start3A_102 = arith.constant 5800 : i32
    %dma_start3A_103 = tpu.memref_slice %arg6[%dma_start3A_102] : memref<6400xi32, #tpu.memory_space<vmem>> -> memref<200xi32, #tpu.memory_space<vmem>>
    %dma_start3A_104 = arith.constant 0 : i32
    %dma_start3A_105 = arith.constant 0 : i32
    %dma_start3A_106 = tpu.memref_slice %arg3[%dma_start3A_104, %dma_start3A_105] : memref<100000x128xf32, #tpu.memory_space<hbm>> -> memref<100000x128xf32, #tpu.memory_space<hbm>>
    tpu.enqueue_indirect_dma source(%dma_start3A_106 : memref<100000x128xf32, #tpu.memory_space<hbm>>) target(%arg9 : memref<200x128xf32, #tpu.memory_space<vmem>>) offsets(%dma_start3A_103 : memref<200xi32, #tpu.memory_space<vmem>>) semaphore(%arg17 : memref<!tpu.dma_semaphore, #tpu.memory_space<semaphore_mem>>) {add = true}
    %add3A_107 = arith.constant 5200 : i32
    %add3A_108 = arith.addi %mul3A_2, %add3A_107 : i32
    %dma_wait3A_109 = arith.constant 0 : i32
    %dma_wait3A_110 = tpu.memref_slice %arg5[%add3A_108, %dma_wait3A_109] : memref<204800x128xf32, #tpu.memory_space<hbm>> -> memref<200x128xf32, #tpu.memory_space<hbm>>
    %dma_wait3A_111 = arith.constant 0 : i32
    %dma_wait3A_112 = tpu.memref_slice %arg5[%add3A_108, %dma_wait3A_111] : memref<204800x128xf32, #tpu.memory_space<hbm>> -> memref<200x128xf32, #tpu.memory_space<hbm>>
    tpu.wait_dma2 semaphore(%arg22 : memref<!tpu.dma_semaphore, #tpu.memory_space<semaphore_mem>>) src(%arg10 : memref<200x128xf32, #tpu.memory_space<vmem>>) dst(%dma_wait3A_112 : memref<200x128xf32, #tpu.memory_space<hbm>>)
    tpu.enqueue_dma source(%arg7 : memref<200x128xf32, #tpu.memory_space<vmem_shared>>) target(%arg10 : memref<200x128xf32, #tpu.memory_space<vmem>>) target_semaphore(%arg14 : memref<!tpu.dma_semaphore, #tpu.memory_space<semaphore_mem>>)
    %dma_wait3A_113 = arith.constant 5600 : i32
    %dma_wait3A_114 = tpu.memref_slice %arg6[%dma_wait3A_113] : memref<6400xi32, #tpu.memory_space<vmem>> -> memref<200xi32, #tpu.memory_space<vmem>>
    %dma_wait3A_115 = arith.constant 0 : i32
    %dma_wait3A_116 = arith.constant 0 : i32
    %dma_wait3A_117 = tpu.memref_slice %arg3[%dma_wait3A_115, %dma_wait3A_116] : memref<100000x128xf32, #tpu.memory_space<hbm>> -> memref<100000x128xf32, #tpu.memory_space<hbm>>
    tpu.wait_indirect_dma semaphore(%arg16 : memref<!tpu.dma_semaphore, #tpu.memory_space<semaphore_mem>>) src(%dma_wait3A_117 : memref<100000x128xf32, #tpu.memory_space<hbm>>) dst(%arg8 : memref<200x128xf32, #tpu.memory_space<vmem>>)
    %add3A_118 = arith.constant 5600 : i32
    %add3A_119 = arith.addi %mul3A_2, %add3A_118 : i32
    %dma_start3A_120 = arith.constant 0 : i32
    %dma_start3A_121 = tpu.memref_slice %arg5[%add3A_119, %dma_start3A_120] : memref<204800x128xf32, #tpu.memory_space<hbm>> -> memref<200x128xf32, #tpu.memory_space<hbm>>
    %dma_start3A_122 = arith.constant 0 : i32
    %dma_start3A_123 = tpu.memref_slice %arg5[%add3A_119, %dma_start3A_122] : memref<204800x128xf32, #tpu.memory_space<hbm>> -> memref<200x128xf32, #tpu.memory_space<hbm>>
    tpu.enqueue_dma source(%arg8 : memref<200x128xf32, #tpu.memory_space<vmem>>) target(%dma_start3A_123 : memref<200x128xf32, #tpu.memory_space<hbm>>) target_semaphore(%arg20 : memref<!tpu.dma_semaphore, #tpu.memory_space<semaphore_mem>>)
    tpu.wait_dma2 semaphore(%arg14 : memref<!tpu.dma_semaphore, #tpu.memory_space<semaphore_mem>>) src(%arg7 : memref<200x128xf32, #tpu.memory_space<vmem_shared>>) dst(%arg10 : memref<200x128xf32, #tpu.memory_space<vmem>>)
    %dma_start3A_124 = arith.constant 6000 : i32
    %dma_start3A_125 = tpu.memref_slice %arg6[%dma_start3A_124] : memref<6400xi32, #tpu.memory_space<vmem>> -> memref<200xi32, #tpu.memory_space<vmem>>
    %dma_start3A_126 = arith.constant 0 : i32
    %dma_start3A_127 = arith.constant 0 : i32
    %dma_start3A_128 = tpu.memref_slice %arg3[%dma_start3A_126, %dma_start3A_127] : memref<100000x128xf32, #tpu.memory_space<hbm>> -> memref<100000x128xf32, #tpu.memory_space<hbm>>
    tpu.enqueue_indirect_dma source(%dma_start3A_128 : memref<100000x128xf32, #tpu.memory_space<hbm>>) target(%arg10 : memref<200x128xf32, #tpu.memory_space<vmem>>) offsets(%dma_start3A_125 : memref<200xi32, #tpu.memory_space<vmem>>) semaphore(%arg18 : memref<!tpu.dma_semaphore, #tpu.memory_space<semaphore_mem>>) {add = true}
    %add3A_129 = arith.constant 5400 : i32
    %add3A_130 = arith.addi %mul3A_2, %add3A_129 : i32
    %dma_wait3A_131 = arith.constant 0 : i32
    %dma_wait3A_132 = tpu.memref_slice %arg5[%add3A_130, %dma_wait3A_131] : memref<204800x128xf32, #tpu.memory_space<hbm>> -> memref<200x128xf32, #tpu.memory_space<hbm>>
    %dma_wait3A_133 = arith.constant 0 : i32
    %dma_wait3A_134 = tpu.memref_slice %arg5[%add3A_130, %dma_wait3A_133] : memref<204800x128xf32, #tpu.memory_space<hbm>> -> memref<200x128xf32, #tpu.memory_space<hbm>>
    tpu.wait_dma2 semaphore(%arg23 : memref<!tpu.dma_semaphore, #tpu.memory_space<semaphore_mem>>) src(%arg11 : memref<200x128xf32, #tpu.memory_space<vmem>>) dst(%dma_wait3A_134 : memref<200x128xf32, #tpu.memory_space<hbm>>)
    tpu.enqueue_dma source(%arg7 : memref<200x128xf32, #tpu.memory_space<vmem_shared>>) target(%arg11 : memref<200x128xf32, #tpu.memory_space<vmem>>) target_semaphore(%arg15 : memref<!tpu.dma_semaphore, #tpu.memory_space<semaphore_mem>>)
    %dma_wait3A_135 = arith.constant 5800 : i32
    %dma_wait3A_136 = tpu.memref_slice %arg6[%dma_wait3A_135] : memref<6400xi32, #tpu.memory_space<vmem>> -> memref<200xi32, #tpu.memory_space<vmem>>
    %dma_wait3A_137 = arith.constant 0 : i32
    %dma_wait3A_138 = arith.constant 0 : i32
    %dma_wait3A_139 = tpu.memref_slice %arg3[%dma_wait3A_137, %dma_wait3A_138] : memref<100000x128xf32, #tpu.memory_space<hbm>> -> memref<100000x128xf32, #tpu.memory_space<hbm>>
    tpu.wait_indirect_dma semaphore(%arg17 : memref<!tpu.dma_semaphore, #tpu.memory_space<semaphore_mem>>) src(%dma_wait3A_139 : memref<100000x128xf32, #tpu.memory_space<hbm>>) dst(%arg9 : memref<200x128xf32, #tpu.memory_space<vmem>>)
    %add3A_140 = arith.constant 5800 : i32
    %add3A_141 = arith.addi %mul3A_2, %add3A_140 : i32
    %dma_start3A_142 = arith.constant 0 : i32
    %dma_start3A_143 = tpu.memref_slice %arg5[%add3A_141, %dma_start3A_142] : memref<204800x128xf32, #tpu.memory_space<hbm>> -> memref<200x128xf32, #tpu.memory_space<hbm>>
    %dma_start3A_144 = arith.constant 0 : i32
    %dma_start3A_145 = tpu.memref_slice %arg5[%add3A_141, %dma_start3A_144] : memref<204800x128xf32, #tpu.memory_space<hbm>> -> memref<200x128xf32, #tpu.memory_space<hbm>>
    tpu.enqueue_dma source(%arg9 : memref<200x128xf32, #tpu.memory_space<vmem>>) target(%dma_start3A_145 : memref<200x128xf32, #tpu.memory_space<hbm>>) target_semaphore(%arg21 : memref<!tpu.dma_semaphore, #tpu.memory_space<semaphore_mem>>)
    tpu.wait_dma2 semaphore(%arg15 : memref<!tpu.dma_semaphore, #tpu.memory_space<semaphore_mem>>) src(%arg7 : memref<200x128xf32, #tpu.memory_space<vmem_shared>>) dst(%arg11 : memref<200x128xf32, #tpu.memory_space<vmem>>)
    %dma_start3A_146 = arith.constant 6200 : i32
    %dma_start3A_147 = tpu.memref_slice %arg6[%dma_start3A_146] : memref<6400xi32, #tpu.memory_space<vmem>> -> memref<200xi32, #tpu.memory_space<vmem>>
    %dma_start3A_148 = arith.constant 0 : i32
    %dma_start3A_149 = arith.constant 0 : i32
    %dma_start3A_150 = tpu.memref_slice %arg3[%dma_start3A_148, %dma_start3A_149] : memref<100000x128xf32, #tpu.memory_space<hbm>> -> memref<100000x128xf32, #tpu.memory_space<hbm>>
    tpu.enqueue_indirect_dma source(%dma_start3A_150 : memref<100000x128xf32, #tpu.memory_space<hbm>>) target(%arg11 : memref<200x128xf32, #tpu.memory_space<vmem>>) offsets(%dma_start3A_147 : memref<200xi32, #tpu.memory_space<vmem>>) semaphore(%arg19 : memref<!tpu.dma_semaphore, #tpu.memory_space<semaphore_mem>>) {add = true}
    %add3A_151 = arith.constant 5600 : i32
    %add3A_152 = arith.addi %mul3A_2, %add3A_151 : i32
    %dma_wait3A_153 = arith.constant 0 : i32
    %dma_wait3A_154 = tpu.memref_slice %arg5[%add3A_152, %dma_wait3A_153] : memref<204800x128xf32, #tpu.memory_space<hbm>> -> memref<200x128xf32, #tpu.memory_space<hbm>>
    %dma_wait3A_155 = arith.constant 0 : i32
    %dma_wait3A_156 = tpu.memref_slice %arg5[%add3A_152, %dma_wait3A_155] : memref<204800x128xf32, #tpu.memory_space<hbm>> -> memref<200x128xf32, #tpu.memory_space<hbm>>
    tpu.wait_dma2 semaphore(%arg20 : memref<!tpu.dma_semaphore, #tpu.memory_space<semaphore_mem>>) src(%arg8 : memref<200x128xf32, #tpu.memory_space<vmem>>) dst(%dma_wait3A_156 : memref<200x128xf32, #tpu.memory_space<hbm>>)
    %dma_wait3A_157 = arith.constant 6000 : i32
    %dma_wait3A_158 = tpu.memref_slice %arg6[%dma_wait3A_157] : memref<6400xi32, #tpu.memory_space<vmem>> -> memref<200xi32, #tpu.memory_space<vmem>>
    %dma_wait3A_159 = arith.constant 0 : i32
    %dma_wait3A_160 = arith.constant 0 : i32
    %dma_wait3A_161 = tpu.memref_slice %arg3[%dma_wait3A_159, %dma_wait3A_160] : memref<100000x128xf32, #tpu.memory_space<hbm>> -> memref<100000x128xf32, #tpu.memory_space<hbm>>
    tpu.wait_indirect_dma semaphore(%arg18 : memref<!tpu.dma_semaphore, #tpu.memory_space<semaphore_mem>>) src(%dma_wait3A_161 : memref<100000x128xf32, #tpu.memory_space<hbm>>) dst(%arg10 : memref<200x128xf32, #tpu.memory_space<vmem>>)
    %add3A_162 = arith.constant 6000 : i32
    %add3A_163 = arith.addi %mul3A_2, %add3A_162 : i32
    %dma_start3A_164 = arith.constant 0 : i32
    %dma_start3A_165 = tpu.memref_slice %arg5[%add3A_163, %dma_start3A_164] : memref<204800x128xf32, #tpu.memory_space<hbm>> -> memref<200x128xf32, #tpu.memory_space<hbm>>
    %dma_start3A_166 = arith.constant 0 : i32
    %dma_start3A_167 = tpu.memref_slice %arg5[%add3A_163, %dma_start3A_166] : memref<204800x128xf32, #tpu.memory_space<hbm>> -> memref<200x128xf32, #tpu.memory_space<hbm>>
    tpu.enqueue_dma source(%arg10 : memref<200x128xf32, #tpu.memory_space<vmem>>) target(%dma_start3A_167 : memref<200x128xf32, #tpu.memory_space<hbm>>) target_semaphore(%arg22 : memref<!tpu.dma_semaphore, #tpu.memory_space<semaphore_mem>>)
    %dma_wait3A_168 = arith.constant 6200 : i32
    %dma_wait3A_169 = tpu.memref_slice %arg6[%dma_wait3A_168] : memref<6400xi32, #tpu.memory_space<vmem>> -> memref<200xi32, #tpu.memory_space<vmem>>
    %dma_wait3A_170 = arith.constant 0 : i32
    %dma_wait3A_171 = arith.constant 0 : i32
    %dma_wait3A_172 = tpu.memref_slice %arg3[%dma_wait3A_170, %dma_wait3A_171] : memref<100000x128xf32, #tpu.memory_space<hbm>> -> memref<100000x128xf32, #tpu.memory_space<hbm>>
    tpu.wait_indirect_dma semaphore(%arg19 : memref<!tpu.dma_semaphore, #tpu.memory_space<semaphore_mem>>) src(%dma_wait3A_172 : memref<100000x128xf32, #tpu.memory_space<hbm>>) dst(%arg11 : memref<200x128xf32, #tpu.memory_space<vmem>>)
    %add3A_173 = arith.constant 6200 : i32
    %add3A_174 = arith.addi %mul3A_2, %add3A_173 : i32
    %dma_start3A_175 = arith.constant 0 : i32
    %dma_start3A_176 = tpu.memref_slice %arg5[%add3A_174, %dma_start3A_175] : memref<204800x128xf32, #tpu.memory_space<hbm>> -> memref<200x128xf32, #tpu.memory_space<hbm>>
    %dma_start3A_177 = arith.constant 0 : i32
    %dma_start3A_178 = tpu.memref_slice %arg5[%add3A_174, %dma_start3A_177] : memref<204800x128xf32, #tpu.memory_space<hbm>> -> memref<200x128xf32, #tpu.memory_space<hbm>>
    tpu.enqueue_dma source(%arg11 : memref<200x128xf32, #tpu.memory_space<vmem>>) target(%dma_start3A_178 : memref<200x128xf32, #tpu.memory_space<hbm>>) target_semaphore(%arg23 : memref<!tpu.dma_semaphore, #tpu.memory_space<semaphore_mem>>)
    %add3A_179 = arith.constant 5800 : i32
    %add3A_180 = arith.addi %mul3A_2, %add3A_179 : i32
    %dma_wait3A_181 = arith.constant 0 : i32
    %dma_wait3A_182 = tpu.memref_slice %arg5[%add3A_180, %dma_wait3A_181] : memref<204800x128xf32, #tpu.memory_space<hbm>> -> memref<200x128xf32, #tpu.memory_space<hbm>>
    %dma_wait3A_183 = arith.constant 0 : i32
    %dma_wait3A_184 = tpu.memref_slice %arg5[%add3A_180, %dma_wait3A_183] : memref<204800x128xf32, #tpu.memory_space<hbm>> -> memref<200x128xf32, #tpu.memory_space<hbm>>
    tpu.wait_dma2 semaphore(%arg21 : memref<!tpu.dma_semaphore, #tpu.memory_space<semaphore_mem>>) src(%arg9 : memref<200x128xf32, #tpu.memory_space<vmem>>) dst(%dma_wait3A_184 : memref<200x128xf32, #tpu.memory_space<hbm>>)
    %add3A_185 = arith.constant 6000 : i32
    %add3A_186 = arith.addi %mul3A_2, %add3A_185 : i32
    %dma_wait3A_187 = arith.constant 0 : i32
    %dma_wait3A_188 = tpu.memref_slice %arg5[%add3A_186, %dma_wait3A_187] : memref<204800x128xf32, #tpu.memory_space<hbm>> -> memref<200x128xf32, #tpu.memory_space<hbm>>
    %dma_wait3A_189 = arith.constant 0 : i32
    %dma_wait3A_190 = tpu.memref_slice %arg5[%add3A_186, %dma_wait3A_189] : memref<204800x128xf32, #tpu.memory_space<hbm>> -> memref<200x128xf32, #tpu.memory_space<hbm>>
    tpu.wait_dma2 semaphore(%arg22 : memref<!tpu.dma_semaphore, #tpu.memory_space<semaphore_mem>>) src(%arg10 : memref<200x128xf32, #tpu.memory_space<vmem>>) dst(%dma_wait3A_190 : memref<200x128xf32, #tpu.memory_space<hbm>>)
    %add3A_191 = arith.constant 6200 : i32
    %add3A_192 = arith.addi %mul3A_2, %add3A_191 : i32
    %dma_wait3A_193 = arith.constant 0 : i32
    %dma_wait3A_194 = tpu.memref_slice %arg5[%add3A_192, %dma_wait3A_193] : memref<204800x128xf32, #tpu.memory_space<hbm>> -> memref<200x128xf32, #tpu.memory_space<hbm>>
    %dma_wait3A_195 = arith.constant 0 : i32
    %dma_wait3A_196 = tpu.memref_slice %arg5[%add3A_192, %dma_wait3A_195] : memref<204800x128xf32, #tpu.memory_space<hbm>> -> memref<200x128xf32, #tpu.memory_space<hbm>>
    tpu.wait_dma2 semaphore(%arg23 : memref<!tpu.dma_semaphore, #tpu.memory_space<semaphore_mem>>) src(%arg11 : memref<200x128xf32, #tpu.memory_space<vmem>>) dst(%dma_wait3A_196 : memref<200x128xf32, #tpu.memory_space<hbm>>)
    return
  }
}

</mosaic_0001>

<sc_bundles>
// kernel: kernel.3.cloned.1.call-start
scs
__scs_entry_jumppad:
0x0: {  	(pc) =	sbr.rel $0x88, $3  }
0x1: {  	(tag) =	ssettag $0x0;
	lr =	simm.s32 $0x1  }
0x2: {  	[smem:$0x3F9E] =	sst lr;
	_ =	strace $0xD0000000  }
0x3: {  	_ = 	snop  }
0x4: {  	_ = 	snop  }
0x5: {  	_ = 	snop  }
0x6: {  	_ = 	snop  }
0x7: {  	_ = 	snop  }
__scs_overlays_trampoline_lowered:
0x8: {  	[smem:$0x3FAD] =	sst s0  }
0x9: {  	[smem:$0x3FAE] =	sst s1  }
0xa: {  	[smem:$0x3FAF] =	sst s2  }
0xb: {  	[smem:$0x3FB0] =	sst s3  }
0xc: {  	[smem:$0x3FB1] =	sst s4  }
0xd: {  	[smem:$0x3FB2] =	sst s5  }
0xe: {  	[smem:$0x3FB3] =	sst s6  }
0xf: {  	[smem:$0x3FB4] =	sst s7  }
0x10: {  	[smem:$0x3FB5] =	sst s8  }
0x11: {  	[smem:$0x3FB6] =	sst s9;
	s0 =	simm.s32 @!p0 $0x0  }
0x12: {  	s1 =	sld [smem:$0x3F9C];
	s0 =	simm.s32 @p0 $0x1  }
0x13: {  	[smem:$0x3FB7] =	sst s0;
	s0 =	simm.s32 @!p1 $0x0  }
0x14: {  	s2 =	sld [smem:$0x3F9B];
	s0 =	simm.s32 @p1 $0x1  }
0x15: {  	[smem:$0x3FB8] =	sst s0;
	s0 =	simm.s32 @!p2 $0x0  }
0x16: {  	s3 =	sld [smem:$0x3FDB];
	s0 =	simm.s32 @p2 $0x1  }
0x17: {  	s4 =	simm.s32 $0x1BF5;
	[smem:$0x3FBA] =	sst s0  }
0x18: {  	s0 =	sld [smem:$0x3F9D];
	_ =	swait.ge [sflag:s4], $0x0  }
0x19: {  	s7 =	sld [smem:$0x3F9E]  }
0x1a: {  	s8 =	sadd.s32 $0xFFFFE003, lr  }
0x1b: {  	s9 =	sadd.s32 $0xFFFFFEF7, lr;
	s5 =	simm.s32 $0xFFFFFFFF;
	p2 =	slt.u32 s8, $0xFFFFF086  }
0x1c: {  	p1 =	slt.u32 s9, $0xF7A;
	s5 =	simm.s32 @!p2 $0x0  }
0x1d: {  	s5 =	simm.s32 @p1 $0x1;
	p0 =	seq.s32 s7, s2  }
0x1e: {  	s7 =	smul.u32 @!p0 $0xF7A, s2;
	p2 =	seq.s32 @!p0 s5, $0x0  }
0x1f: {  	s9 =	smul.u32 $0xF7A, s1;
	s8 =	simm.s32 @!p0 $0x1BF5;
	p2 =	por !p2, p0  }
0x20: {  	[sflag:s8] =	ssyncset.s32 @!p0 $0xFFFFF086;
	s6 =	sadd.s32 @!p0 s3, s7;
	s7 =	simm.s32 @!p0 $0x108  }
0x21: {  	s3 =	sadd.s32 s3, s9;
	s6 =	sadd.s32 @!p0 $0x88, s6;
	s7 =	simm.s32 @p2 $0x1082  }
0x22: {  	[simem:s7], [sflag:s8] =	dma.local @!p0 [hbm:s6], $0xF7A  }
0x23: {  	s9 =	sor.u32 $0xD0000000, s2;
	s6 =	simm.s32 $0x108;
	_ =	swait.ge @!p0 [sflag:s8], $0x0  }
0x24: {  	s3 =	sadd.s32 $0x88, s3;
	s6 =	simm.s32 @!p1 $0x1082;
	[sflag:s4] =	ssyncset.s32 $0xFFFFF086  }
0x25: {  	[simem:s6], [sflag:s4] =	dma.local [hbm:s3], $0xF7A  }
0x26: {  	[smem:$0x3F9E] =	sst s1;
	(tag) =	ssettag s2;
	_ =	strace s9  }
0x27: {  	s1 =	sld [smem:$0x3FAE]  }
0x28: {  	s2 =	sld [smem:$0x3FAF]  }
0x29: {  	s4 =	sld [smem:$0x3FB1]  }
0x2a: {  	p0 =	seq.s32 s5, $0x0;
	s5 =	sld [smem:$0x3FB2]  }
0x2b: {  	s6 =	sld [smem:$0x3FB3]  }
0x2c: {  	s7 =	sld [smem:$0x3FB4]  }
0x2d: {  	s3 =	simm.s32 $0x108;
	s8 =	sld [smem:$0x3FB5]  }
0x2e: {  	s3 =	simm.s32 @!p0 $0x1082;
	s9 =	sld [smem:$0x3FB6]  }
0x2f: {  	lr =	sadd.s32 s0, s3;
	s0 =	sld [smem:$0x3FAD]  }
0x30: {  	s3 =	sld [smem:$0x3FB0]  }
0x31: {  	[smem:$0x3FB9] =	sst s10  }
0x32: {  	s10 =	sld [smem:$0x3FB7];
	_ =	sdelay $0x3  }
0x33: {  	p0 =	seq.s32 s10, $0x1;
	s10 =	sld [smem:$0x3FB9];
	_ =	sdelay $0x3  }
0x34: {  	[smem:$0x3FB9] =	sst s10  }
0x35: {  	s10 =	sld [smem:$0x3FB8];
	_ =	sdelay $0x3  }
0x36: {  	p1 =	seq.s32 s10, $0x1;
	s10 =	sld [smem:$0x3FB9];
	_ =	sdelay $0x3  }
0x37: {  	[smem:$0x3FB9] =	sst s10  }
0x38: {  	s10 =	sld [smem:$0x3FBA]  }
0x39: {  	_ = 	snop;
	(pc) =	sbr.ind lr, $3  }
0x3a: {  	_ = 	snop  }
0x3b: {  	_ = 	snop  }
0x3c: {  	p2 =	seq.s32 s10, $0x1;
	s10 =	sld [smem:$0x3FB9]  }
0x3d: {  	_ =	shalt  }
0x3e: {  	_ =	shalt  }
0x3f: {  	_ =	shalt  }
0x40: {  	_ =	shalt  }
0x41: {  	_ =	shalt  }
0x42: {  	_ =	shalt  }
0x43: {  	_ =	shalt  }
0x44: {  	_ =	shalt  }
0x45: {  	_ =	shalt  }
0x46: {  	_ =	shalt  }
0x47: {  	_ =	shalt  }
0x48: {  	_ =	shalt  }
0x49: {  	_ =	shalt  }
0x4a: {  	_ =	shalt  }
0x4b: {  	_ =	shalt  }
0x4c: {  	_ =	shalt  }
0x4d: {  	_ =	shalt  }
0x4e: {  	_ =	shalt  }
0x4f: {  	_ =	shalt  }
0x50: {  	_ =	shalt  }
0x51: {  	_ =	shalt  }
0x52: {  	_ =	shalt  }
0x53: {  	_ =	shalt  }
0x54: {  	_ =	shalt  }
0x55: {  	_ =	shalt  }
0x56: {  	_ =	shalt  }
0x57: {  	_ =	shalt  }
0x58: {  	_ =	shalt  }
0x59: {  	_ =	shalt  }
0x5a: {  	_ =	shalt  }
0x5b: {  	_ =	shalt  }
0x5c: {  	_ =	shalt  }
0x5d: {  	_ =	shalt  }
0x5e: {  	_ =	shalt  }
0x5f: {  	_ =	shalt  }
0x60: {  	_ =	shalt  }
0x61: {  	_ =	shalt  }
0x62: {  	_ =	shalt  }
0x63: {  	_ =	shalt  }
0x64: {  	_ =	shalt  }
0x65: {  	_ =	shalt  }
0x66: {  	_ =	shalt  }
0x67: {  	_ =	shalt  }
0x68: {  	_ =	shalt  }
0x69: {  	_ =	shalt  }
0x6a: {  	_ =	shalt  }
0x6b: {  	_ =	shalt  }
0x6c: {  	_ =	shalt  }
0x6d: {  	_ =	shalt  }
0x6e: {  	_ =	shalt  }
0x6f: {  	_ =	shalt  }
0x70: {  	_ =	shalt  }
0x71: {  	_ =	shalt  }
0x72: {  	_ =	shalt  }
0x73: {  	_ =	shalt  }
0x74: {  	_ =	shalt  }
0x75: {  	_ =	shalt  }
0x76: {  	_ =	shalt  }
0x77: {  	_ =	shalt  }
0x78: {  	_ =	shalt  }
0x79: {  	_ =	shalt  }
0x7a: {  	_ =	shalt  }
0x7b: {  	_ =	shalt  }
0x7c: {  	_ =	shalt  }
0x7d: {  	_ =	shalt  }
0x7e: {  	_ =	shalt  }
0x7f: {  	_ =	shalt  }
0x80: {  	_ =	shalt  }
0x81: {  	_ =	shalt  }
0x82: {  	_ =	shalt  }
0x83: {  	_ =	shalt  }
0x84: {  	_ =	shalt  }
0x85: {  	_ =	shalt  }
0x86: {  	_ =	shalt  }
0x87: {  	_ =	shalt  }
.Lfunc_end0:
.L_simem_size_0:
called_computation_lowered:
.L_overlay_start_0:
0x88: {  	s2 =	sld [smem:$0x3FD9]  }
0x89: {  	s3 =	sld [smem:$0x3FFE];
	_ =	sdelay $0x1  }
0x8a: {  	s1 =	srdreg.scid  }
0x8b: {  	s0 =	sand.u32 $0x1, s1  }
0x8c: {  	s17 =	sshll.u32 s0, $0xA;
	s2 =	sadd.s32 s3, s2  }
0x8d: {  	s2 =	sadd.s32 s2, s17  }
0x8e: {  	[smem:$0x3FC5] =	sst s2  }
0x8f: {  	_ = 	snop  }
0x90: {  	s2 =	sld [smem:$0x3FC8]  }
0x91: {  	s18 =	sld [smem:$0x3FC7]  }
0x92: {  	s4 =	sld [smem:$0x3FD0];
	(tm) =	ssettm $0x1  }
0x93: {  	s5 =	sld [smem:$0x3FFB];
	_ =	sdelay $0x3  }
0x94: {  	_ =	strace s5  }
0x95: {  	s5 =	sld [smem:$0x3FFC];
	_ =	sdelay $0x3  }
0x96: {  	_ =	strace s5  }
0x97: {  	s5 =	sld [smem:$0x3FFD];
	_ =	sdelay $0x3  }
0x98: {  	_ =	strace s5  }
0x99: {  	_ =	strace $0x8FFFFFFF  }
0x9a: {  	s19 =	sld [smem:$0x3FDB];
	_ =	sdelay $0x1  }
0x9b: {  	s6 =	simm.s32 $_scs_section_size  }
0x9c: {  	s7 =	simm.s32 $_size__tile_overlayer_lowered;
	s8 =	simm.s32 $_tile_overlayer_lowered  }
0x9d: {  	s22 =	simm.s32 $0x1BFF;
	s21 =	sshll.u32 s8, $0x1;
	s5 =	sadd.s32 s6, s19  }
0x9e: {  	s9 =	simm.s32 $0x0;
	s20 =	sshll.u32 s7, $0x1;
	s7 =	sadd.s32 s21, s5  }
0x9f: {  	[timem:s9], [sflag:s22] =	dma.local [hbm:s7], s20  }
0xa0: {  	_ =	swait.ge [sflag:s22], s20  }
0xa1: {  	s6 =	ssub.s32 $0x0, s20;
	[sflag:s22] =	ssyncset.done $0x0  }
0xa2: {  	[sflag:s22] =	ssyncadd.s32 s6;
	_ =	sdelay $0x1  }
0xa3: {  	s23 =	simm.s32 $0x1B8B  }
0xa4: {  	_ =	swait.ge [sflag:s23], $0x1  }
0xa5: {  	[sflag:s23] =	ssyncset.done $0x0  }
0xa6: {  	s25 =	simm.s32 $0x1B8E;
	s24 =	sld [smem:$0x3FFE];
	[sflag:s23] =	ssyncadd.s32 $0xFFFFFFFF  }
0xa7: {  	s26 =	simm.s32 $execute0_lowered;
	[smem:$0x3FD2] =	sst s25  }
0xa8: {  	s7 =	sshll.u32 s26, $0x1;
	_ =	strace $0x80000046;
	[dreg:$0x1] =	wrdreg $0xFFFFFFFF  }
0xa9: {  	s28 =	simm.s32 $_size_execute0_lowered;
	s5 =	sadd.s32 s5, s7;
	[dreg:$0x0] =	wrdreg $0x0  }
0xaa: {  	s7 =	sshll.u32 s28, $0x1;
	[dreg:$0x2] =	wrdreg s5  }
0xab: {  	[dreg:$0x3] =	wrdreg s7  }
0xac: {  	[dreg:$0x4] =	wrdreg $0xC0  }
0xad: {  	_ =	task [dreg:s9], $0x5FFFF  }
0xae: {  	[dreg:$0x1] =	wrdreg $0xFFFFFFFF  }
0xaf: {  	[dreg:$0x0] =	wrdreg $0x60  }
0xb0: {  	[dreg:$0x2] =	wrdreg s24  }
0xb1: {  	[dreg:$0x3] =	wrdreg s2  }
0xb2: {  	[dreg:$0x4] =	wrdreg s18  }
0xb3: {  	[dreg:$0x5] =	wrdreg s4  }
0xb4: {  	[dreg:$0x6] =	wrdreg $0x19000  }
0xb5: {  	[dreg:$0x7] =	wrdreg $0x9  }
0xb6: {  	_ =	task.clear_ibuf [dreg:s9], $0x8FFFF;
	_ =	strace $0x90000046  }
0xb7: {  	s29 =	simm.s32 $0x9;
	_ =	strace $0x80000048  }
0xb8: {  	_ =	swait.ge [sflag:s29], $0x1  }
0xb9: {  	[sflag:s29] =	ssyncadd.s32 $0xFFFFFFFF  }
0xba: {  	_ =	strace $0x90000048  }
0xbb: {  	_ =	sfence  }
0xbc: {  	s30 =	sld [smem:$0x0];
	_ =	sdelay $0x2  }
0xbd: {  	s31 =	sshll.u32 s1, $0xD;
	s1 =	sshrl.u32 s1, $0x2  }
0xbe: {  	s3 =	sand.u32 $0x4000, s31;
	s1 =	sadd.s32 s1, s30  }
0xbf: {  	s0 =	sor.u32 s3, s0;
	s1 =	sshll.u32 s1, $0x11  }
0xc0: {  	s0 =	sor.u32 s1, s0  }
0xc1: {  	s0 =	sadd.s32 $0x8F2B, s0  }
0xc2: {  	[sflag:s0] =	ssyncadd.remote.s32 $0x1  }
0xc3: {  	_ =	sfence.sel $0xFFFF  }
0xc4: {  	[dreg:$0x0] =	wrdreg $0xFFFFFFFF;
	(pc) =	sbr.abs _section_cstart, $3  }
0xc5: {  	[dreg:$0x1] =	wrdreg $0xFFFFFFFF  }
0xc6: {  	_ =	task.clear_ibuf [dreg:s9], $0x2FFFF;
	_ =	strace $0x9FFFFFFF  }
0xc7: {  	(tm) =	ssettm $0x7FFFFFFF  }
tec
execute0_lowered:
.L_overlay_start_1:
0x0: {  	(tag) =	ssettag $0x1  }
0x1: {  	s1 =	rddreg [dreg:$0x0]  }
0x2: {  	s0 =	rddreg [dreg:$0x1]  }
0x3: {  	s2 =	srdreg.scid;
	s6 =	rddreg [dreg:$0x3]  }
0x4: {  	s5 =	stileid.u32;
	s3 =	rddreg [dreg:$0x4]  }
0x5: {  	s28 =	simm.s32 $0x6;
	s29 =	simm.s32 $0x4;
	s30 =	simm.s32 $0x9  }
0x6: {  	s2 =	sand.u32 $0x1, s2;
	s4 =	sshll.u32 s5, $0x1;
	s20 =	smul.u32 $0x32000, s5  }
0x7: {  	s7 =	sor.u32 s2, s4;
	s9 =	ssub.s32 $0x2, s2;
	s2 =	smul.u32 $0x19000, s2  }
0x8: {  	s31 =	simm.s32 $0x7;
	p0 =	sne.s32 s5, $0x0;
	s8 =	smul.u32 $0x1900, s7  }
0x9: {  	s5 =	simm.s32 $0xB;
	s4 =	simm.s32 $0x0;
	s7 =	smul.u32 $0xC8000, s7  }
0xa: {  	s16 =	sshrl.u32 @!p0 s3, $0x3;
	[smem:$0x7FF] =	sst s4;
	s8 =	sshrl.u32 s8, $0x3  }
0xb: {  	s17 =	sshrl.u32 s9, $0x1;
	s7 =	sshrl.u32 s7, $0x3;
	s1 =	sadd.s32 s8, s1  }
0xc: {  	_ =	strace $0x80000047;
	s18 =	sadd.s32 s6, s7;
	s1 =	sadd.s32 $0x400, s1  }
0xd: {  	s8 =	ssub.s32 s9, s17;
	s7 =	sadd.s32 $0x12C00, s18;
	[dreg:$0x6] =	wrdreg s1  }
0xe: {  	s6 =	sadd.s32 s20, s6;
	s19 =	sadd.s32 $0x13880, s18;
	[dreg:$0x7] =	wrdreg s7  }
0xf: {  	s17 =	simm.s32 $0xE;
	s21 =	sadd.s32 $0x14500, s18;
	[dreg:$0x8] =	wrdreg s19  }
0x10: {  	s20 =	simm.s32 $0x1;
	s22 =	sadd.s32 $0x15180, s18;
	[dreg:$0x9] =	wrdreg s21  }
0x11: {  	s23 =	sadd.s32 $0x15E00, s18;
	s24 =	sadd.s32 $0x16A80, s18;
	[dreg:$0xa] =	wrdreg s22  }
0x12: {  	s25 =	sadd.s32 $0x17700, s18;
	s26 =	sadd.s32 s2, s6;
	[dreg:$0xb] =	wrdreg s23  }
0x13: {  	s14 =	smax.u32 s8, $0x1;
	s2 =	simm.s32 $0xA;
	[dreg:$0xc] =	wrdreg s24  }
0x14: {  	s6 =	simm.s32 $0xC;
	[dreg:$0xd] =	wrdreg s25;
	s1 =	sadd.s32 $0x18380, s18  }
0x15: {  	s10 =	sadd.s32 $0x2580, s26;
	s18 =	simm.s32 $0x1F40;
	s19 =	simm.s32 $0x8340  }
0x16: {  	s21 =	simm.s32 $0xC8;
	s22 =	simm.s32 $0x2;
	s23 =	simm.s32 $0xE740  }
0x17: {  	s24 =	simm.s32 $0x5;
	s25 =	simm.s32 $0x3;
	s26 =	simm.s32 $0x14B40  }
0x18: {  	s7 =	simm.s32 $0x0;
	[dreg:$0xe] =	wrdreg s1;
	s1 =	simm.s32 $0x8  }
.LBB2_1:
0x19: {  	s8 =	simm.s32 @!p0 $0x1C0D;
	s9 =	rddreg [dreg:$0x2]  }
0x1a: {  	[spmem:s16], [sflag:s8] =	dma.local @!p0 [hbm:s9], $0xC80  }
0x1b: {  	s8 =	simm.s32 @!p0 $0xD  }
0x1c: {  	_ =	swait.ge @!p0 [sflag:s8], $0xC80  }
0x1d: {  	[sflag:s8] =	ssyncset.done @!p0 $0x0  }
0x1e: {  	s11 =	rddreg [dreg:$0x6];
	[sflag:s8] =	ssyncadd.s32 @!p0 $0xFFFFF380  }
0x1f: {  	[tilespmem:s4], [sflag:$0xE] =	stream.linear.gather [hbm4b:s11+s4], $0x1900, $0x38;
	[tilespmem:$0x1AF40] =	vst v63  }
0x20: {  	_ =	swait.ge [sflag:s17], $0x1900  }
0x21: {  	[sflag:s17] =	ssyncset.done $0x0  }
0x22: {  	[sflag:s17] =	ssyncadd.s32 $0xFFFFE700  }
0x23: {  	[bflag:$0x0] =	sbarrier.arrive $0xFFFF  }
0x24: {  	[tilespmem:s18], [sflag:$0x1] =	stream.linear.gather [spmem:s3], $0x6400, $0x38;
	[tilespmem:$0x1AF40] =	vst v63  }
0x25: {  	_ = 	snop  }
0x26: {  	[tilespmem:s19], [sflag:$0x2] =	stream.linear.gather [spmem:s3], $0x6400, $0x38;
	[tilespmem:$0x1AF40] =	vst v63  }
0x27: {  	_ =	swait.ge [sflag:s20], $0x6400  }
0x28: {  	[sflag:s20] =	ssyncset.done $0x0  }
0x29: {  	[sflag:s20] =	ssyncadd.s32 $0xFFFF9C00  }
0x2a: {  	[tilespmem:s18], [sflag:$0x5] =	stream.indirect.gather.add.f32 [hbm:s0], $0x80, s4, s21, $0xb8;
	[tilespmem:$0x1AF40] =	vst v63  }
0x2b: {  	_ =	swait.ge [sflag:s22], $0x6400  }
0x2c: {  	p1 =	por $0x1, $0x1;
	[sflag:s22] =	ssyncset.done $0x0  }
0x2d: {  	s12 =	simm.s32 $0xC8;
	s9 =	simm.s32 @!p1 $0xB;
	[sflag:s22] =	ssyncadd.s32 $0xFFFF9C00  }
0x2e: {  	[tilespmem:s19], [sflag:$0x6] =	stream.indirect.gather.add.f32 [hbm:s0], $0x80, s12, s21, $0xb8;
	[tilespmem:$0x1AF40] =	vst v63  }
0x2f: {  	_ =	swait.ge @!p1 [sflag:s9], $0x6400  }
0x30: {  	[sflag:s9] =	ssyncset.done @!p1 $0x0  }
0x31: {  	[sflag:s9] =	ssyncadd.s32 @!p1 $0xFFFF9C00  }
0x32: {  	[tilespmem:s23], [sflag:$0x3] =	stream.linear.gather [spmem:s3], $0x6400, $0x38;
	[tilespmem:$0x1AF40] =	vst v63  }
0x33: {  	_ =	swait.ge [sflag:s24], $0x6400  }
0x34: {  	[sflag:s24] =	ssyncset.done $0x0  }
0x35: {  	s13 =	sadd.s32 $0xFFFFDA80, s10;
	[sflag:s24] =	ssyncadd.s32 $0xFFFF9C00  }
0x36: {  	[hbm4b:s13+s4] =	stream.linear.scatter [tilespmem:s18], [sflag:$0x9], $0x6400, $0x38;
	[tilespmem:$0x1AF40] =	vst v63  }
0x37: {  	_ =	swait.ge [sflag:s25], $0x6400  }
0x38: {  	[sflag:s25] =	ssyncset.done $0x0  }
0x39: {  	s15 =	simm.s32 $0x190;
	s9 =	simm.s32 @!p1 $0xC;
	[sflag:s25] =	ssyncadd.s32 $0xFFFF9C00  }
0x3a: {  	[tilespmem:s23], [sflag:$0x7] =	stream.indirect.gather.add.f32 [hbm:s0], $0x80, s15, s21, $0xb8;
	[tilespmem:$0x1AF40] =	vst v63  }
0x3b: {  	_ =	swait.ge @!p1 [sflag:s9], $0x6400  }
0x3c: {  	[sflag:s9] =	ssyncset.done @!p1 $0x0  }
0x3d: {  	[sflag:s9] =	ssyncadd.s32 @!p1 $0xFFFF9C00  }
0x3e: {  	[tilespmem:s26], [sflag:$0x4] =	stream.linear.gather [spmem:s3], $0x6400, $0x38;
	[tilespmem:$0x1AF40] =	vst v63  }
0x3f: {  	_ =	swait.ge [sflag:s28], $0x6400  }
0x40: {  	[sflag:s28] =	ssyncset.done $0x0  }
0x41: {  	s11 =	sadd.s32 $0xFFFFE700, s10;
	[sflag:s28] =	ssyncadd.s32 $0xFFFF9C00  }
0x42: {  	[hbm4b:s11+s4] =	stream.linear.scatter [tilespmem:s19], [sflag:$0xA], $0x6400, $0x38;
	[tilespmem:$0x1AF40] =	vst v63  }
0x43: {  	_ =	swait.ge [sflag:s29], $0x6400  }
0x44: {  	[sflag:s29] =	ssyncset.done $0x0  }
0x45: {  	s12 =	simm.s32 $0x258;
	[sflag:s29] =	ssyncadd.s32 $0xFFFF9C00  }
0x46: {  	[tilespmem:s26], [sflag:$0x8] =	stream.indirect.gather.add.f32 [hbm:s0], $0x80, s12, s21, $0xb8;
	[tilespmem:$0x1AF40] =	vst v63  }
0x47: {  	_ =	swait.ge [sflag:s30], $0x6400  }
0x48: {  	[sflag:s30] =	ssyncset.done $0x0  }
0x49: {  	[sflag:s30] =	ssyncadd.s32 $0xFFFF9C00  }
0x4a: {  	[tilespmem:s18], [sflag:$0x1] =	stream.linear.gather [spmem:s3], $0x6400, $0x38;
	[tilespmem:$0x1AF40] =	vst v63  }
0x4b: {  	_ =	swait.ge [sflag:s31], $0x6400  }
0x4c: {  	[sflag:s31] =	ssyncset.done $0x0  }
0x4d: {  	s13 =	sadd.s32 $0xFFFFF380, s10;
	[sflag:s31] =	ssyncadd.s32 $0xFFFF9C00  }
0x4e: {  	[hbm4b:s13+s4] =	stream.linear.scatter [tilespmem:s23], [sflag:$0xB], $0x6400, $0x38;
	[tilespmem:$0x1AF40] =	vst v63  }
0x4f: {  	_ =	swait.ge [sflag:s20], $0x6400  }
0x50: {  	[sflag:s20] =	ssyncset.done $0x0  }
0x51: {  	s15 =	simm.s32 $0x320;
	[sflag:s20] =	ssyncadd.s32 $0xFFFF9C00  }
0x52: {  	[tilespmem:s18], [sflag:$0x5] =	stream.indirect.gather.add.f32 [hbm:s0], $0x80, s15, s21, $0xb8;
	[tilespmem:$0x1AF40] =	vst v63  }
0x53: {  	_ =	swait.ge [sflag:s2], $0x6400  }
0x54: {  	[sflag:s2] =	ssyncset.done $0x0  }
0x55: {  	[sflag:s2] =	ssyncadd.s32 $0xFFFF9C00  }
0x56: {  	[tilespmem:s19], [sflag:$0x2] =	stream.linear.gather [spmem:s3], $0x6400, $0x38;
	[tilespmem:$0x1AF40] =	vst v63  }
0x57: {  	s8 =	simm.s32 $0xC80;
	_ =	swait.ge [sflag:s1], $0x6400  }
0x58: {  	s9 =	smov.u32 s10;
	s15 =	smov.u32 s10;
	[sflag:s1] =	ssyncset.done $0x0  }
.LBB2_2:
0x59: {  	[sflag:s1] =	ssyncadd.s32 $0xFFFF9C00  }
0x5a: {  	s15 =	sadd.s32 $0x3200, s15;
	s12 =	smov.u32 s8;
	s8 =	sadd.s32 $0xC80, s8  }
0x5b: {  	[hbm4b:s9+s4] =	stream.linear.scatter [tilespmem:s26], [sflag:$0xC], $0x6400, $0x38;
	[tilespmem:$0x1AF40] =	vst v63  }
0x5c: {  	s11 =	sshra.s32 s12, $0x2;
	p1 =	sne.s32 s8, $0x4B00;
	_ =	swait.ge [sflag:s22], $0x6400  }
0x5d: {  	p2 =	seq.s32 s12, $0x0;
	s13 =	sadd.s32 $0xC8, s11;
	[sflag:s22] =	ssyncset.done $0x0  }
0x5e: {  	s9 =	smov.u32 s15;
	s12 =	simm.s32 @!p2 $0xB;
	[sflag:s22] =	ssyncadd.s32 $0xFFFF9C00  }
0x5f: {  	[tilespmem:s19], [sflag:$0x6] =	stream.indirect.gather.add.f32 [hbm:s0], $0x80, s13, s21, $0xb8;
	[tilespmem:$0x1AF40] =	vst v63  }
0x60: {  	_ =	swait.ge @!p2 [sflag:s12], $0x6400  }
0x61: {  	[sflag:s12] =	ssyncset.done @!p2 $0x0  }
0x62: {  	[sflag:s12] =	ssyncadd.s32 @!p2 $0xFFFF9C00  }
0x63: {  	[tilespmem:s23], [sflag:$0x3] =	stream.linear.gather [spmem:s3], $0x6400, $0x38;
	[tilespmem:$0x1AF40] =	vst v63  }
0x64: {  	_ =	swait.ge [sflag:s24], $0x6400  }
0x65: {  	s12 =	sadd.s32 $0xFFFFDA80, s15;
	[sflag:s24] =	ssyncset.done $0x0  }
0x66: {  	[sflag:s24] =	ssyncadd.s32 $0xFFFF9C00  }
0x67: {  	[hbm4b:s12+s4] =	stream.linear.scatter [tilespmem:s18], [sflag:$0x9], $0x6400, $0x38;
	[tilespmem:$0x1AF40] =	vst v63  }
0x68: {  	_ =	swait.ge [sflag:s25], $0x6400  }
0x69: {  	s12 =	sadd.s32 $0x190, s11;
	[sflag:s25] =	ssyncset.done $0x0  }
0x6a: {  	s13 =	simm.s32 @!p2 $0xC;
	[sflag:s25] =	ssyncadd.s32 $0xFFFF9C00  }
0x6b: {  	[tilespmem:s23], [sflag:$0x7] =	stream.indirect.gather.add.f32 [hbm:s0], $0x80, s12, s21, $0xb8;
	[tilespmem:$0x1AF40] =	vst v63  }
0x6c: {  	_ =	swait.ge @!p2 [sflag:s13], $0x6400  }
0x6d: {  	[sflag:s13] =	ssyncset.done @!p2 $0x0  }
0x6e: {  	[sflag:s13] =	ssyncadd.s32 @!p2 $0xFFFF9C00  }
0x6f: {  	[tilespmem:s26], [sflag:$0x4] =	stream.linear.gather [spmem:s3], $0x6400, $0x38;
	[tilespmem:$0x1AF40] =	vst v63  }
0x70: {  	_ =	swait.ge [sflag:s28], $0x6400  }
0x71: {  	s12 =	sadd.s32 $0xFFFFE700, s15;
	[sflag:s28] =	ssyncset.done $0x0  }
0x72: {  	[sflag:s28] =	ssyncadd.s32 $0xFFFF9C00  }
0x73: {  	[hbm4b:s12+s4] =	stream.linear.scatter [tilespmem:s19], [sflag:$0xA], $0x6400, $0x38;
	[tilespmem:$0x1AF40] =	vst v63  }
0x74: {  	_ =	swait.ge [sflag:s29], $0x6400  }
0x75: {  	s12 =	sadd.s32 $0x258, s11;
	[sflag:s29] =	ssyncset.done $0x0  }
0x76: {  	[sflag:s29] =	ssyncadd.s32 $0xFFFF9C00  }
0x77: {  	[tilespmem:s26], [sflag:$0x8] =	stream.indirect.gather.add.f32 [hbm:s0], $0x80, s12, s21, $0xb8;
	[tilespmem:$0x1AF40] =	vst v63  }
0x78: {  	_ =	swait.ge [sflag:s30], $0x6400  }
0x79: {  	[sflag:s30] =	ssyncset.done $0x0  }
0x7a: {  	[sflag:s30] =	ssyncadd.s32 $0xFFFF9C00  }
0x7b: {  	[tilespmem:s18], [sflag:$0x1] =	stream.linear.gather [spmem:s3], $0x6400, $0x38;
	[tilespmem:$0x1AF40] =	vst v63  }
0x7c: {  	_ =	swait.ge [sflag:s31], $0x6400  }
0x7d: {  	s12 =	sadd.s32 $0xFFFFF380, s15;
	[sflag:s31] =	ssyncset.done $0x0  }
0x7e: {  	[sflag:s31] =	ssyncadd.s32 $0xFFFF9C00  }
0x7f: {  	[hbm4b:s12+s4] =	stream.linear.scatter [tilespmem:s23], [sflag:$0xB], $0x6400, $0x38;
	[tilespmem:$0x1AF40] =	vst v63  }
0x80: {  	_ =	swait.ge [sflag:s20], $0x6400  }
0x81: {  	s11 =	sadd.s32 $0x320, s11;
	[sflag:s20] =	ssyncset.done $0x0  }
0x82: {  	[sflag:s20] =	ssyncadd.s32 $0xFFFF9C00  }
0x83: {  	[tilespmem:s18], [sflag:$0x5] =	stream.indirect.gather.add.f32 [hbm:s0], $0x80, s11, s21, $0xb8;
	[tilespmem:$0x1AF40] =	vst v63  }
0x84: {  	_ =	swait.ge [sflag:s2], $0x6400  }
.Ltmp0:
0x85: {  	[sflag:s2] =	ssyncset.done $0x0;
	(pc) =	sbr.rel @p1 .LBB2_2-.Ltmp0, $4  }
0x86: {  	[sflag:s2] =	ssyncadd.s32 $0xFFFF9C00  }
0x87: {  	[tilespmem:s19], [sflag:$0x2] =	stream.linear.gather [spmem:s3], $0x6400, $0x38;
	[tilespmem:$0x1AF40] =	vst v63  }
0x88: {  	_ =	swait.ge [sflag:s1], $0x6400  }
0x89: {  	[sflag:s1] =	ssyncset.done $0x0  }
0x8a: {  	[sflag:s1] =	ssyncadd.s32 $0xFFFF9C00  }
0x8b: {  	[hbm4b:s9+s4] =	stream.linear.scatter [tilespmem:s26], [sflag:$0xC], $0x6400, $0x38;
	[tilespmem:$0x1AF40] =	vst v63  }
0x8c: {  	_ =	swait.ge [sflag:s22], $0x6400  }
0x8d: {  	[sflag:s22] =	ssyncset.done $0x0  }
0x8e: {  	s8 =	simm.s32 $0x1388;
	[sflag:s22] =	ssyncadd.s32 $0xFFFF9C00  }
0x8f: {  	[tilespmem:s19], [sflag:$0x6] =	stream.indirect.gather.add.f32 [hbm:s0], $0x80, s8, s21, $0xb8;
	[tilespmem:$0x1AF40] =	vst v63  }
0x90: {  	_ =	swait.ge [sflag:s5], $0x6400  }
0x91: {  	[sflag:s5] =	ssyncset.done $0x0  }
0x92: {  	[sflag:s5] =	ssyncadd.s32 $0xFFFF9C00  }
0x93: {  	[tilespmem:s23], [sflag:$0x3] =	stream.linear.gather [spmem:s3], $0x6400, $0x38;
	[tilespmem:$0x1AF40] =	vst v63  }
0x94: {  	_ =	swait.ge [sflag:s24], $0x6400  }
0x95: {  	[sflag:s24] =	ssyncset.done $0x0  }
0x96: {  	s11 =	rddreg [dreg:$0x7];
	[sflag:s24] =	ssyncadd.s32 $0xFFFF9C00  }
0x97: {  	[hbm4b:s11+s4] =	stream.linear.scatter [tilespmem:s18], [sflag:$0x9], $0x6400, $0x38;
	[tilespmem:$0x1AF40] =	vst v63  }
0x98: {  	_ =	swait.ge [sflag:s25], $0x6400  }
0x99: {  	[sflag:s25] =	ssyncset.done $0x0  }
0x9a: {  	s12 =	simm.s32 $0x1450;
	[sflag:s25] =	ssyncadd.s32 $0xFFFF9C00  }
0x9b: {  	[tilespmem:s23], [sflag:$0x7] =	stream.indirect.gather.add.f32 [hbm:s0], $0x80, s12, s21, $0xb8;
	[tilespmem:$0x1AF40] =	vst v63  }
0x9c: {  	_ =	swait.ge [sflag:s6], $0x6400  }
0x9d: {  	[sflag:s6] =	ssyncset.done $0x0  }
0x9e: {  	[sflag:s6] =	ssyncadd.s32 $0xFFFF9C00  }
0x9f: {  	[tilespmem:s26], [sflag:$0x4] =	stream.linear.gather [spmem:s3], $0x6400, $0x38;
	[tilespmem:$0x1AF40] =	vst v63  }
0xa0: {  	_ =	swait.ge [sflag:s28], $0x6400  }
0xa1: {  	[sflag:s28] =	ssyncset.done $0x0  }
0xa2: {  	s13 =	rddreg [dreg:$0x8];
	[sflag:s28] =	ssyncadd.s32 $0xFFFF9C00  }
0xa3: {  	[hbm4b:s13+s4] =	stream.linear.scatter [tilespmem:s19], [sflag:$0xA], $0x6400, $0x38;
	[tilespmem:$0x1AF40] =	vst v63  }
0xa4: {  	_ =	swait.ge [sflag:s29], $0x6400  }
0xa5: {  	[sflag:s29] =	ssyncset.done $0x0  }
0xa6: {  	s15 =	simm.s32 $0x1518;
	[sflag:s29] =	ssyncadd.s32 $0xFFFF9C00  }
0xa7: {  	[tilespmem:s26], [sflag:$0x8] =	stream.indirect.gather.add.f32 [hbm:s0], $0x80, s15, s21, $0xb8;
	[tilespmem:$0x1AF40] =	vst v63  }
0xa8: {  	_ =	swait.ge [sflag:s30], $0x6400  }
0xa9: {  	[sflag:s30] =	ssyncset.done $0x0  }
0xaa: {  	[sflag:s30] =	ssyncadd.s32 $0xFFFF9C00  }
0xab: {  	[tilespmem:s18], [sflag:$0x1] =	stream.linear.gather [spmem:s3], $0x6400, $0x38;
	[tilespmem:$0x1AF40] =	vst v63  }
0xac: {  	_ =	swait.ge [sflag:s31], $0x6400  }
0xad: {  	[sflag:s31] =	ssyncset.done $0x0  }
0xae: {  	s9 =	rddreg [dreg:$0x9];
	[sflag:s31] =	ssyncadd.s32 $0xFFFF9C00  }
0xaf: {  	[hbm4b:s9+s4] =	stream.linear.scatter [tilespmem:s23], [sflag:$0xB], $0x6400, $0x38;
	[tilespmem:$0x1AF40] =	vst v63  }
0xb0: {  	_ =	swait.ge [sflag:s20], $0x6400  }
0xb1: {  	[sflag:s20] =	ssyncset.done $0x0  }
0xb2: {  	s11 =	simm.s32 $0x15E0;
	[sflag:s20] =	ssyncadd.s32 $0xFFFF9C00  }
0xb3: {  	[tilespmem:s18], [sflag:$0x5] =	stream.indirect.gather.add.f32 [hbm:s0], $0x80, s11, s21, $0xb8;
	[tilespmem:$0x1AF40] =	vst v63  }
0xb4: {  	_ =	swait.ge [sflag:s2], $0x6400  }
0xb5: {  	[sflag:s2] =	ssyncset.done $0x0  }
0xb6: {  	[sflag:s2] =	ssyncadd.s32 $0xFFFF9C00  }
0xb7: {  	[tilespmem:s19], [sflag:$0x2] =	stream.linear.gather [spmem:s3], $0x6400, $0x38;
	[tilespmem:$0x1AF40] =	vst v63  }
0xb8: {  	_ =	swait.ge [sflag:s1], $0x6400  }
0xb9: {  	[sflag:s1] =	ssyncset.done $0x0  }
0xba: {  	s12 =	rddreg [dreg:$0xa];
	[sflag:s1] =	ssyncadd.s32 $0xFFFF9C00  }
0xbb: {  	[hbm4b:s12+s4] =	stream.linear.scatter [tilespmem:s26], [sflag:$0xC], $0x6400, $0x38;
	[tilespmem:$0x1AF40] =	vst v63  }
0xbc: {  	_ =	swait.ge [sflag:s22], $0x6400  }
0xbd: {  	[sflag:s22] =	ssyncset.done $0x0  }
0xbe: {  	s13 =	simm.s32 $0x16A8;
	[sflag:s22] =	ssyncadd.s32 $0xFFFF9C00  }
0xbf: {  	[tilespmem:s19], [sflag:$0x6] =	stream.indirect.gather.add.f32 [hbm:s0], $0x80, s13, s21, $0xb8;
	[tilespmem:$0x1AF40] =	vst v63  }
0xc0: {  	_ =	swait.ge [sflag:s5], $0x6400  }
0xc1: {  	[sflag:s5] =	ssyncset.done $0x0  }
0xc2: {  	[sflag:s5] =	ssyncadd.s32 $0xFFFF9C00  }
0xc3: {  	[tilespmem:s23], [sflag:$0x3] =	stream.linear.gather [spmem:s3], $0x6400, $0x38;
	[tilespmem:$0x1AF40] =	vst v63  }
0xc4: {  	_ =	swait.ge [sflag:s24], $0x6400  }
0xc5: {  	[sflag:s24] =	ssyncset.done $0x0  }
0xc6: {  	s15 =	rddreg [dreg:$0xb];
	[sflag:s24] =	ssyncadd.s32 $0xFFFF9C00  }
0xc7: {  	[hbm4b:s15+s4] =	stream.linear.scatter [tilespmem:s18], [sflag:$0x9], $0x6400, $0x38;
	[tilespmem:$0x1AF40] =	vst v63  }
0xc8: {  	_ =	swait.ge [sflag:s25], $0x6400  }
0xc9: {  	[sflag:s25] =	ssyncset.done $0x0  }
0xca: {  	s9 =	simm.s32 $0x1770;
	[sflag:s25] =	ssyncadd.s32 $0xFFFF9C00  }
0xcb: {  	[tilespmem:s23], [sflag:$0x7] =	stream.indirect.gather.add.f32 [hbm:s0], $0x80, s9, s21, $0xb8;
	[tilespmem:$0x1AF40] =	vst v63  }
0xcc: {  	_ =	swait.ge [sflag:s6], $0x6400  }
0xcd: {  	[sflag:s6] =	ssyncset.done $0x0  }
0xce: {  	[sflag:s6] =	ssyncadd.s32 $0xFFFF9C00  }
0xcf: {  	[tilespmem:s26], [sflag:$0x4] =	stream.linear.gather [spmem:s3], $0x6400, $0x38;
	[tilespmem:$0x1AF40] =	vst v63  }
0xd0: {  	_ =	swait.ge [sflag:s28], $0x6400  }
0xd1: {  	[sflag:s28] =	ssyncset.done $0x0  }
0xd2: {  	s11 =	rddreg [dreg:$0xc];
	[sflag:s28] =	ssyncadd.s32 $0xFFFF9C00  }
0xd3: {  	[hbm4b:s11+s4] =	stream.linear.scatter [tilespmem:s19], [sflag:$0xA], $0x6400, $0x38;
	[tilespmem:$0x1AF40] =	vst v63  }
0xd4: {  	_ =	swait.ge [sflag:s29], $0x6400  }
0xd5: {  	[sflag:s29] =	ssyncset.done $0x0  }
0xd6: {  	s12 =	simm.s32 $0x1838;
	[sflag:s29] =	ssyncadd.s32 $0xFFFF9C00  }
0xd7: {  	[tilespmem:s26], [sflag:$0x8] =	stream.indirect.gather.add.f32 [hbm:s0], $0x80, s12, s21, $0xb8;
	[tilespmem:$0x1AF40] =	vst v63  }
0xd8: {  	_ =	swait.ge [sflag:s30], $0x6400  }
0xd9: {  	[sflag:s30] =	ssyncset.done $0x0  }
0xda: {  	[sflag:s30] =	ssyncadd.s32 $0xFFFF9C00  }
0xdb: {  	_ =	swait.ge [sflag:s31], $0x6400  }
0xdc: {  	[sflag:s31] =	ssyncset.done $0x0  }
0xdd: {  	s13 =	rddreg [dreg:$0xd];
	[sflag:s31] =	ssyncadd.s32 $0xFFFF9C00  }
0xde: {  	[hbm4b:s13+s4] =	stream.linear.scatter [tilespmem:s23], [sflag:$0xB], $0x6400, $0x38;
	[tilespmem:$0x1AF40] =	vst v63  }
0xdf: {  	_ =	swait.ge [sflag:s1], $0x6400  }
0xe0: {  	[sflag:s1] =	ssyncset.done $0x0  }
0xe1: {  	s15 =	rddreg [dreg:$0xe];
	[sflag:s1] =	ssyncadd.s32 $0xFFFF9C00  }
0xe2: {  	[hbm4b:s15+s4] =	stream.linear.scatter [tilespmem:s26], [sflag:$0xC], $0x6400, $0x38;
	[tilespmem:$0x1AF40] =	vst v63  }
0xe3: {  	_ =	swait.ge [sflag:s2], $0x6400  }
0xe4: {  	[sflag:s2] =	ssyncset.done $0x0  }
0xe5: {  	s7 =	sadd.s32 $0x1, s7;
	[sflag:s2] =	ssyncadd.s32 $0xFFFF9C00  }
0xe6: {  	p1 =	sne.s32 s7, s14;
	_ =	swait.ge [sflag:s5], $0x6400  }
.Ltmp1:
0xe7: {  	[sflag:s5] =	ssyncset.done $0x0;
	(pc) =	sbr.rel @p1 .LBB2_1-.Ltmp1, $4  }
0xe8: {  	[sflag:s5] =	ssyncadd.s32 $0xFFFF9C00  }
0xe9: {  	_ =	swait.ge [sflag:s6], $0x6400  }
0xea: {  	[sflag:s6] =	ssyncset.done $0x0  }
0xeb: {  	[sflag:s6] =	ssyncadd.s32 $0xFFFF9C00  }
0xec: {  	_ =	sfence.sel $0x180000  }
0xed: {  	[bflag:$0x0] =	sbarrier.arrive $0xFFFF  }
0xee: {  	_ =	strace $0x90000047  }
0xef: {  	[bflag:$0x2] =	sbarrier.arrive $0xFFFF  }
0xf0: {  	s0 =	rddreg [dreg:$0x5]  }
0xf1: {  	s0 =	sadd.s32 @!p0 $0x100000, s0  }
0xf2: {  	[sflag:s0] =	ssyncadd.tile.s32 @!p0 $0x1;
	_ =	shalt  }
.Lfunc_end2:
_tile_overlayer_lowered:
.L_overlay_start_2:
0xf3: {  	(tag) =	ssettag $0x2  }
0xf4: {  	s0 =	rddreg [dreg:$0x0];
	s2 =	stileid.u32  }
0xf5: {  	s1 =	rddreg [dreg:$0x1];
	p0 =	sne.s32 s2, $0x0  }
0xf6: {  	s3 =	rddreg [dreg:$0x2];
	[bflag:$0x3] =	sbarrier.arrive $0xFFFF;
	s2 =	simm.s32 @!p0 $0x1C0E  }
0xf7: {  	[timem:s3], [sflag:s2] =	dma.local @!p0 [hbm:s0], s1  }
0xf8: {  	s0 =	simm.s32 @!p0 $0xE  }
0xf9: {  	_ =	swait.ge @!p0 [sflag:s0], s1  }
0xfa: {  	s1 =	ssub.s32 @!p0 $0x0, s1;
	[sflag:s0] =	ssyncset.done @!p0 $0x0  }
0xfb: {  	[sflag:s0] =	ssyncadd.s32 @!p0 s1  }
0xfc: {  	[bflag:$0x3] =	sbarrier.arrive $0xFFFF  }
0xfd: {  	_ =	shalt  }

</sc_bundles>
